<compile_context>
chip_gen: v7x
topology: tpu7x:2x2x1
jax: 0.10.2.dev20260603
libtpu: 0.0.44.dev20260713+nightly
codegen_flags: <defaults>
</compile_context>

<pallas_src>
import jax
import jax.numpy as jnp
from jax import lax
from jax.experimental import pallas as pl
from jax.experimental.pallas import tpu as pltpu
from jax.experimental.pallas import tpu_sc as plsc

VOCAB = 8192
DIM = 1024
DFF = 4096
TOK = 4096
THRESH = 0.8
IDXPAD = TOK + 16

_NC, _NS = 2, 16
_NW = _NC * _NS

_sc_mesh = lambda: plsc.VectorSubcoreMesh(
    core_axis_name="c", subcore_axis_name="s")


def _wid():
    return lax.axis_index("s") * _NC + lax.axis_index("c")


_EMB_CH = 32


def _emb_gather_body(x_hbm, emb_hbm, out_hbm,
                     idx0, idx1, rows0, rows1, sem0, sem1):
    w = _wid()
    rows_per_w = TOK // _NW
    nch = rows_per_w // _EMB_CH
    idxs = (idx0, idx1)
    rows = (rows0, rows1)
    sems = (sem0, sem1)
    prev = None
    for k in range(nch):
        base = w * rows_per_w + k * _EMB_CH
        pltpu.sync_copy(x_hbm.at[pl.ds(base, _EMB_CH)], idxs[k % 2])
        cur = pltpu.async_copy(emb_hbm.at[idxs[k % 2]], rows[k % 2],
                               sems[k % 2])
        if prev is not None:
            prev.wait()
            pb = w * rows_per_w + (k - 1) * _EMB_CH
            pltpu.sync_copy(rows[(k - 1) % 2], out_hbm.at[pl.ds(pb, _EMB_CH)])
        prev = cur
    prev.wait()
    lb = w * rows_per_w + (nch - 1) * _EMB_CH
    pltpu.sync_copy(rows[(nch - 1) % 2], out_hbm.at[pl.ds(lb, _EMB_CH)])


def _emb_gather(x_flat, emb):
    return pl.kernel(
        _emb_gather_body,
        out_type=jax.ShapeDtypeStruct((TOK, DIM), jnp.float32),
        mesh=_sc_mesh(),
        compiler_params=pltpu.CompilerParams(needs_layout_passes=False),
        scratch_types=[
            pltpu.VMEM((_EMB_CH,), jnp.int32),
            pltpu.VMEM((_EMB_CH,), jnp.int32),
            pltpu.VMEM((_EMB_CH, DIM), jnp.float32),
            pltpu.VMEM((_EMB_CH, DIM), jnp.float32),
            pltpu.SemaphoreType.DMA,
            pltpu.SemaphoreType.DMA,
        ],
    )(x_flat, emb)


_BLK0 = 512


def _mlp0_body(h_ref, w1_ref, w2_ref, g_ref, b_ref,
               hout_ref, mask_ref):
    h = h_ref[...]
    mean = jnp.mean(h, axis=-1, keepdims=True)
    var = jnp.mean((h - mean) ** 2, axis=-1, keepdims=True)
    ln = (h - mean) / jnp.sqrt(var + 1e-5) * g_ref[...] + b_ref[...]
    mid = jax.nn.gelu(jnp.dot(ln, w1_ref[...],
                              preferred_element_type=jnp.float32))
    hout = h + jnp.dot(mid, w2_ref[...], preferred_element_type=jnp.float32)
    hout_ref[...] = hout
    num = jnp.sum(h * hout, axis=-1, keepdims=True)
    den = (jnp.sqrt(jnp.sum(h * h, axis=-1, keepdims=True))
           * jnp.sqrt(jnp.sum(hout * hout, axis=-1, keepdims=True)) + 1e-8)
    cos = num / den
    mask_ref[...] = (cos < THRESH).astype(jnp.int32)


def _mlp0(h, W1, W2, g, b):
    return pl.pallas_call(
        _mlp0_body,
        grid=(TOK // _BLK0,),
        in_specs=[
            pl.BlockSpec((_BLK0, DIM), lambda i: (i, 0)),
            pl.BlockSpec((DIM, DFF), lambda i: (0, 0)),
            pl.BlockSpec((DFF, DIM), lambda i: (0, 0)),
            pl.BlockSpec((1, DIM), lambda i: (0, 0)),
            pl.BlockSpec((1, DIM), lambda i: (0, 0)),
        ],
        out_specs=[
            pl.BlockSpec((_BLK0, DIM), lambda i: (i, 0)),
            pl.BlockSpec((_BLK0, 1), lambda i: (i, 0)),
        ],
        out_shape=[
            jax.ShapeDtypeStruct((TOK, DIM), jnp.float32),
            jax.ShapeDtypeStruct((TOK, 1), jnp.int32),
        ],
        compiler_params=pltpu.CompilerParams(
            dimension_semantics=("arbitrary",),
            vmem_limit_bytes=100 * 1024 * 1024),
    )(h, W1, W2, g, b)


def _compact_body(mask_hbm, idx_hbm, cnt_hbm, mask_v, idx_v, cnt_v):
    @pl.when(_wid() == 0)
    def _():
        pltpu.sync_copy(mask_hbm, mask_v)

        def step(i, off):
            mv = mask_v[pl.ds(i * 16, 16)]
            ids = lax.iota(jnp.int32, 16) + i * 16
            cnt = jnp.sum(mv, axis=0)
            plsc.store_compressed(idx_v.at[pl.ds(off, 16)], ids, mask=mv != 0)
            return off + cnt

        count = lax.fori_loop(0, TOK // 16, step, jnp.int32(0))
        idx_v[pl.ds(count, 16)] = jnp.zeros((16,), jnp.int32)
        cnt_v[...] = jnp.full((16,), count, dtype=jnp.int32)
        pltpu.sync_copy(idx_v, idx_hbm)
        pltpu.sync_copy(cnt_v, cnt_hbm)


def _compact(mask_flat):
    return pl.kernel(
        _compact_body,
        out_type=[
            jax.ShapeDtypeStruct((IDXPAD,), jnp.int32),
            jax.ShapeDtypeStruct((16,), jnp.int32),
        ],
        mesh=_sc_mesh(),
        compiler_params=pltpu.CompilerParams(needs_layout_passes=False),
        scratch_types=[
            pltpu.VMEM((TOK,), jnp.int32),
            pltpu.VMEM((IDXPAD,), jnp.int32),
            pltpu.VMEM((16,), jnp.int32),
        ],
    )(mask_flat)


def _gather_rows_body(idx_hbm, cnt_hbm, src_hbm, out_hbm,
                      cnt_v, idx_v, rows_v, sem):
    w = _wid()
    pltpu.sync_copy(cnt_hbm, cnt_v)
    count = jnp.max(cnt_v[...], axis=0)
    nchunks = (count + 15) // 16
    n_mine = jnp.maximum(0, (nchunks - w + _NW - 1) // _NW)

    def step(k, _):
        base = (w + k * _NW) * 16
        pltpu.sync_copy(idx_hbm.at[pl.ds(base, 16)], idx_v)
        pltpu.async_copy(src_hbm.at[idx_v], rows_v, sem).wait()
        pltpu.sync_copy(rows_v, out_hbm.at[pl.ds(base, 16)])
        return 0

    lax.fori_loop(0, n_mine, step, 0)


def _gather_rows(idx, cnt, src):
    return pl.kernel(
        _gather_rows_body,
        out_type=jax.ShapeDtypeStruct((TOK, DIM), jnp.float32),
        mesh=_sc_mesh(),
        compiler_params=pltpu.CompilerParams(needs_layout_passes=False),
        scratch_types=[
            pltpu.VMEM((16,), jnp.int32),
            pltpu.VMEM((16,), jnp.int32),
            pltpu.VMEM((16, DIM), jnp.float32),
            pltpu.SemaphoreType.DMA,
        ],
    )(idx, cnt, src)


_BLK1 = 128
_CH5 = 1024


def _mlp1_body(lg0_ref, hc_ref, w1_ref, w2_ref, wout_ref, g_ref, b_ref,
               cnt_ref, idx_ref, lg_ref,
               w1_v, w2_v, woutb_v, stage_v, hb_v, lrow_v,
               sem_w, sem_h, sem_s):
    del lg0_ref
    count = cnt_ref[0]
    nblk = (count + _BLK1 - 1) // _BLK1

    @pl.when(nblk > 0)
    def _():
        cw1 = pltpu.make_async_copy(w1_ref, w1_v, sem_w)
        cw1.start()
        cw2 = pltpu.make_async_copy(w2_ref, w2_v, sem_w)
        cw2.start()
        cw1.wait()
        cw2.wait()
        for c in range(VOCAB // _CH5):
            cp = pltpu.make_async_copy(
                wout_ref.at[pl.ds(c * _CH5, _CH5)], stage_v, sem_w)
            cp.start()
            cp.wait()
            woutb_v[pl.ds(c * _CH5, _CH5)] = stage_v[...].astype(
                jnp.bfloat16)
        g = g_ref[...]
        b = b_ref[...]

        def blk(bi, _):
            base = bi * _BLK1
            ch = pltpu.make_async_copy(hc_ref.at[pl.ds(base, _BLK1)], hb_v,
                                       sem_h)
            ch.start()
            ch.wait()
            h = hb_v[...]
            mean = jnp.mean(h, axis=-1, keepdims=True)
            var = jnp.mean((h - mean) ** 2, axis=-1, keepdims=True)
            ln = (h - mean) / jnp.sqrt(var + 1e-5) * g + b
            mid = jax.nn.gelu(jnp.dot(ln.astype(jnp.bfloat16),
                                      w1_v[...].astype(jnp.bfloat16),
                                      preferred_element_type=jnp.float32))
            hout = h + jnp.dot(mid.astype(jnp.bfloat16),
                               w2_v[...].astype(jnp.bfloat16),
                               preferred_element_type=jnp.float32)
            lrow_v[...] = lax.dot_general(
                hout.astype(jnp.bfloat16), woutb_v[...],
                dimension_numbers=(((1,), (1,)), ((), ())),
                preferred_element_type=jnp.float32)
            rows = jnp.minimum(count - base, _BLK1)

            def row(r, _):
                dst = idx_ref[base + r]
                c = pltpu.make_async_copy(lrow_v.at[pl.ds(r, 1)],
                                          lg_ref.at[pl.ds(dst, 1)],
                                          sem_s)
                c.start()
                c.wait()
                return 0

            lax.fori_loop(0, rows, row, 0)
            return 0

        lax.fori_loop(0, nblk, blk, 0)


def _mlp1_scatter(logits0, h_c, W1, W2, Wout, g, b, cnt, idx):
    return pl.pallas_call(
        _mlp1_body,
        in_specs=[
            pl.BlockSpec(memory_space=pl.ANY),
            pl.BlockSpec(memory_space=pl.ANY),
            pl.BlockSpec(memory_space=pl.ANY),
            pl.BlockSpec(memory_space=pl.ANY),
            pl.BlockSpec(memory_space=pl.ANY),
            pl.BlockSpec(memory_space=pltpu.VMEM),
            pl.BlockSpec(memory_space=pltpu.VMEM),
            pl.BlockSpec(memory_space=pltpu.SMEM),
            pl.BlockSpec(memory_space=pltpu.SMEM),
        ],
        out_specs=pl.BlockSpec(memory_space=pl.ANY),
        out_shape=jax.ShapeDtypeStruct((TOK, VOCAB), jnp.float32),
        scratch_shapes=[
            pltpu.VMEM((DIM, DFF), jnp.float32),
            pltpu.VMEM((DFF, DIM), jnp.float32),
            pltpu.VMEM((VOCAB, DIM), jnp.bfloat16),
            pltpu.VMEM((_CH5, DIM), jnp.float32),
            pltpu.VMEM((_BLK1, DIM), jnp.float32),
            pltpu.VMEM((_BLK1, VOCAB), jnp.float32),
            pltpu.SemaphoreType.DMA,
            pltpu.SemaphoreType.DMA,
            pltpu.SemaphoreType.DMA,
        ],
        input_output_aliases={0: 0},
        compiler_params=pltpu.CompilerParams(
            vmem_limit_bytes=63 * 1024 * 1024),
    )(logits0, h_c, W1, W2, Wout, g, b, cnt, idx)


_VBLK = 1024


def _logits_body(h_ref, w_ref, out_ref):
    out_ref[...] = lax.dot_general(
        h_ref[...], w_ref[...],
        dimension_numbers=(((1,), (1,)), ((), ())),
        preferred_element_type=jnp.float32)


def _logits(h, W_out):
    return pl.pallas_call(
        _logits_body,
        grid=(VOCAB // _VBLK,),
        in_specs=[
            pl.BlockSpec((TOK, DIM), lambda i: (0, 0)),
            pl.BlockSpec((_VBLK, DIM), lambda i: (i, 0)),
        ],
        out_specs=pl.BlockSpec((TOK, _VBLK), lambda i: (0, i)),
        out_shape=jax.ShapeDtypeStruct((TOK, VOCAB), jnp.float32),
        compiler_params=pltpu.CompilerParams(
            dimension_semantics=("arbitrary",),
            vmem_limit_bytes=100 * 1024 * 1024),
    )(h, W_out)


def kernel(x, emb, W_out, W1_0, W2_0, g0, b0, W1_1, W2_1, g1, b1):
    batch, seq = x.shape
    x_flat = x.reshape(-1).astype(jnp.int32)

    h = _emb_gather(x_flat, emb)
    h_out0, mask_col = _mlp0(h, W1_0, W2_0,
                             g0.reshape(1, DIM), b0.reshape(1, DIM))
    mask_flat = mask_col.reshape(TOK)
    logits0 = _logits(h_out0, W_out)
    idx, cntv = _compact(mask_flat)
    h_c = _gather_rows(idx, cntv, h_out0)
    logits = _mlp1_scatter(logits0, h_c, W1_1, W2_1, W_out,
                           g1.reshape(1, DIM), b1.reshape(1, DIM),
                           cntv, idx)

    count1 = cntv[0]
    exit_counts = jnp.stack([TOK - count1, count1]).astype(jnp.int32)
    shallow_ratio = exit_counts[0] / (batch * seq)
    cumulative_layers = jnp.arange(1, 3)
    total_layers = jnp.sum(exit_counts * cumulative_layers)
    compute_cost = total_layers / ((batch * seq) * 2)
    return (logits.reshape(batch, seq, VOCAB), exit_counts,
            shallow_ratio, compute_cost)

# --- scband reference (transcript-rebuilt; emitter-appended) ---
"""Pipeline reference for scband-ensemble-55783035240903 (READ-ONLY COPY).

The authoritative reference and input builder live on the scoring server;
editing this copy changes nothing except your own understanding.
"""

import jax, jax.numpy as jnp
import numpy as np

VOCAB = 8192
DIM = 1024
DFF = 4096
BATCH = 2
SEQ = 2048
THRESH = 0.8
NUM_LLMS = 2


def layernorm(h, g, b, eps=1e-5):
    mean = jnp.mean(h, axis=-1, keepdims=True)
    var = jnp.var(h, axis=-1, keepdims=True)
    return (h - mean) / jnp.sqrt(var + eps) * g + b


def llm_evaluate(h_seq, W1, W2, g, b, W_out):
    # single transformer-style block with residual MLP (num_layers = 1 per LLM)
    ln = layernorm(h_seq, g, b)
    mid = jax.nn.gelu(ln @ W1)
    h_out = h_seq + mid @ W2
    logits = h_out @ W_out.T  # shared output head
    # early-exit criterion: cosine similarity between input and output hidden states
    num = jnp.sum(h_seq * h_out, axis=-1)
    den = jnp.linalg.norm(h_seq, axis=-1) * jnp.linalg.norm(h_out, axis=-1) + 1e-8
    cos = num / den
    should_exit = cos >= THRESH
    return h_out, logits, should_exit


def setup_inputs(seed: int = 0) -> dict:
    key = jax.random.key(seed)
    ks = jax.random.split(key, 12)
    x = jax.random.randint(ks[0], (BATCH, SEQ), 0, VOCAB)
    emb = jax.random.normal(ks[1], (VOCAB, DIM), dtype=jnp.float32) * 0.02
    W_out = jax.random.normal(ks[2], (VOCAB, DIM), dtype=jnp.float32) * (1.0 / np.sqrt(DIM))
    W1_0 = jax.random.normal(ks[3], (DIM, DFF), dtype=jnp.float32) * 0.005
    W2_0 = jax.random.normal(ks[4], (DFF, DIM), dtype=jnp.float32) * 0.0025
    g0 = jnp.ones((DIM,), dtype=jnp.float32)
    b0 = jnp.zeros((DIM,), dtype=jnp.float32)
    W1_1 = jax.random.normal(ks[5], (DIM, DFF), dtype=jnp.float32) * 0.005
    W2_1 = jax.random.normal(ks[6], (DFF, DIM), dtype=jnp.float32) * 0.0025
    g1 = jnp.ones((DIM,), dtype=jnp.float32)
    b1 = jnp.zeros((DIM,), dtype=jnp.float32)
    return {"x": x, "emb": emb, "W_out": W_out, "W1_0": W1_0, "W2_0": W2_0,
            "g0": g0, "b0": b0, "W1_1": W1_1, "W2_1": W2_1, "g1": g1, "b1": b1}


def reference(x, emb, W_out, W1_0, W2_0, g0, b0, W1_1, W2_1, g1, b1):
    batch_size, seq_len = x.shape
    total_tokens = batch_size * seq_len
    h = jnp.take(emb, x, axis=0)  # embedding lookup
    h_flat = h.reshape(total_tokens, DIM)
    final_logits_flat = jnp.zeros((total_tokens, VOCAB), dtype=jnp.float32)
    exit_llm_indices = jnp.full((total_tokens,), -1, dtype=jnp.int64)
    active_mask = jnp.ones((total_tokens,), dtype=bool)
    active_h = h_flat
    params = [(W1_0, W2_0, g0, b0), (W1_1, W2_1, g1, b1)]
    num_sequences = total_tokens // seq_len
    for llm_idx, (W1, W2, g, b) in enumerate(params):
        is_last_llm = llm_idx == len(params) - 1
        h_seq = active_h.reshape(num_sequences, seq_len, DIM)
        h_out_seq, logits_seq, should_exit_seq = llm_evaluate(h_seq, W1, W2, g, b, W_out)
        h_out_flat = h_out_seq.reshape(-1, DIM)
        logits_flat = logits_seq.reshape(-1, VOCAB)
        should_exit_flat = should_exit_seq.reshape(-1)
        if is_last_llm:
            assign_mask = active_mask
        else:
            assign_mask = active_mask & should_exit_flat
        final_logits_flat = jnp.where(assign_mask[:, None], logits_flat, final_logits_flat)
        exit_llm_indices = jnp.where(assign_mask, llm_idx, exit_llm_indices)
        active_mask = active_mask & ~should_exit_flat
        active_h = h_out_flat
    final_logits = final_logits_flat.reshape(batch_size, seq_len, VOCAB)
    exit_counts = jnp.stack([(exit_llm_indices == i).sum() for i in range(len(params))])
    cumulative_layers = jnp.arange(1, len(params) + 1)  # 1 layer per LLM
    total_layers_computed = jnp.sum(exit_counts * cumulative_layers)
    compute_cost = total_layers_computed / (total_tokens * len(params))
    shallow_ratio = exit_counts[0] / total_tokens
    return final_logits, exit_counts, shallow_ratio, compute_cost

if __name__ == "__main__":
    import jax
    _d = setup_inputs()
    print(jax.jit(kernel)(*tuple(_d.values())))

</pallas_src>

<mosaic_0001>
#map = affine_map<(d0, d1) -> (0)>
#map1 = affine_map<(d0, d1) -> (0, 0)>
module attributes {stable_mosaic.version = 14 : i64} {
  func.func @_emb_gather_body(%arg0: i32, %arg1: i32, %arg2: memref<4096xi32, #tpu.memory_space<hbm>>, %arg3: memref<8192x1024xf32, #tpu.memory_space<hbm>>, %arg4: memref<4096x1024xf32, #tpu.memory_space<hbm>>, %arg5: memref<32xi32, #tpu.memory_space<vmem>>, %arg6: memref<32xi32, #tpu.memory_space<vmem>>, %arg7: memref<32x1024xf32, #tpu.memory_space<vmem>>, %arg8: memref<32x1024xf32, #tpu.memory_space<vmem>>, %arg9: memref<!tpu.dma_semaphore, #tpu.memory_space<semaphore_mem>>, %arg10: memref<!tpu.dma_semaphore, #tpu.memory_space<semaphore_mem>>) attributes {dimension_semantics = [#tpu.dimension_semantics<core_parallel>, #tpu.dimension_semantics<subcore_parallel>], iteration_bounds = array<i64: 2, 16>, scalar_prefetch = 0 : i64, scratch_operands = 6 : i64, tpu.core_type = #tpu.core_type<sc_vector_subcore>, window_params = [{transform_indices = #map}, {transform_indices = #map1}, {transform_indices = #map1}]} {
    %mul3A = arith.constant 2 : i32
    %mul3A_0 = arith.muli %arg1, %mul3A : i32
    %add3A = arith.addi %mul3A_0, %arg0 : i32
    %mul3A_1 = arith.constant 128 : i32
    %mul3A_2 = arith.muli %add3A, %mul3A_1 : i32
    %add3A_3 = arith.constant 0 : i32
    %add3A_4 = arith.addi %mul3A_2, %add3A_3 : i32
    "tpu.region"() ({
      %run_scoped3A = tpu.sem_alloc : memref<!tpu.dma_semaphore, #tpu.memory_space<semaphore_mem>>
      %dma_start3A_55 = tpu.memref_slice %arg2[%add3A_4] : memref<4096xi32, #tpu.memory_space<hbm>> -> memref<32xi32, #tpu.memory_space<hbm>>
      %dma_start3A_56 = tpu.memref_slice %arg2[%add3A_4] : memref<4096xi32, #tpu.memory_space<hbm>> -> memref<32xi32, #tpu.memory_space<hbm>>
      tpu.enqueue_dma source(%dma_start3A_56 : memref<32xi32, #tpu.memory_space<hbm>>) target(%arg5 : memref<32xi32, #tpu.memory_space<vmem>>) target_semaphore(%run_scoped3A : memref<!tpu.dma_semaphore, #tpu.memory_space<semaphore_mem>>)
      %dma_wait3A_57 = tpu.memref_slice %arg2[%add3A_4] : memref<4096xi32, #tpu.memory_space<hbm>> -> memref<32xi32, #tpu.memory_space<hbm>>
      %dma_wait3A_58 = tpu.memref_slice %arg2[%add3A_4] : memref<4096xi32, #tpu.memory_space<hbm>> -> memref<32xi32, #tpu.memory_space<hbm>>
      tpu.wait_dma2 semaphore(%run_scoped3A : memref<!tpu.dma_semaphore, #tpu.memory_space<semaphore_mem>>) src(%dma_wait3A_58 : memref<32xi32, #tpu.memory_space<hbm>>) dst(%arg5 : memref<32xi32, #tpu.memory_space<vmem>>)
      tpu.yield
    }) : () -> ()
    %dma_start3A = arith.constant 0 : i32
    %dma_start3A_5 = arith.constant 0 : i32
    %dma_start3A_6 = tpu.memref_slice %arg3[%dma_start3A, %dma_start3A_5] : memref<8192x1024xf32, #tpu.memory_space<hbm>> -> memref<8192x1024xf32, #tpu.memory_space<hbm>>
    tpu.enqueue_indirect_dma source(%dma_start3A_6 : memref<8192x1024xf32, #tpu.memory_space<hbm>>) target(%arg7 : memref<32x1024xf32, #tpu.memory_space<vmem>>) offsets(%arg5 : memref<32xi32, #tpu.memory_space<vmem>>) semaphore(%arg9 : memref<!tpu.dma_semaphore, #tpu.memory_space<semaphore_mem>>)
    %mul3A_7 = arith.constant 128 : i32
    %mul3A_8 = arith.muli %add3A, %mul3A_7 : i32
    %add3A_9 = arith.constant 32 : i32
    %add3A_10 = arith.addi %mul3A_8, %add3A_9 : i32
    "tpu.region"() ({
      %run_scoped3A = tpu.sem_alloc : memref<!tpu.dma_semaphore, #tpu.memory_space<semaphore_mem>>
      %dma_start3A_55 = tpu.memref_slice %arg2[%add3A_10] : memref<4096xi32, #tpu.memory_space<hbm>> -> memref<32xi32, #tpu.memory_space<hbm>>
      %dma_start3A_56 = tpu.memref_slice %arg2[%add3A_10] : memref<4096xi32, #tpu.memory_space<hbm>> -> memref<32xi32, #tpu.memory_space<hbm>>
      tpu.enqueue_dma source(%dma_start3A_56 : memref<32xi32, #tpu.memory_space<hbm>>) target(%arg6 : memref<32xi32, #tpu.memory_space<vmem>>) target_semaphore(%run_scoped3A : memref<!tpu.dma_semaphore, #tpu.memory_space<semaphore_mem>>)
      %dma_wait3A_57 = tpu.memref_slice %arg2[%add3A_10] : memref<4096xi32, #tpu.memory_space<hbm>> -> memref<32xi32, #tpu.memory_space<hbm>>
      %dma_wait3A_58 = tpu.memref_slice %arg2[%add3A_10] : memref<4096xi32, #tpu.memory_space<hbm>> -> memref<32xi32, #tpu.memory_space<hbm>>
      tpu.wait_dma2 semaphore(%run_scoped3A : memref<!tpu.dma_semaphore, #tpu.memory_space<semaphore_mem>>) src(%dma_wait3A_58 : memref<32xi32, #tpu.memory_space<hbm>>) dst(%arg6 : memref<32xi32, #tpu.memory_space<vmem>>)
      tpu.yield
    }) : () -> ()
    %dma_start3A_11 = arith.constant 0 : i32
    %dma_start3A_12 = arith.constant 0 : i32
    %dma_start3A_13 = tpu.memref_slice %arg3[%dma_start3A_11, %dma_start3A_12] : memref<8192x1024xf32, #tpu.memory_space<hbm>> -> memref<8192x1024xf32, #tpu.memory_space<hbm>>
    tpu.enqueue_indirect_dma source(%dma_start3A_13 : memref<8192x1024xf32, #tpu.memory_space<hbm>>) target(%arg8 : memref<32x1024xf32, #tpu.memory_space<vmem>>) offsets(%arg6 : memref<32xi32, #tpu.memory_space<vmem>>) semaphore(%arg10 : memref<!tpu.dma_semaphore, #tpu.memory_space<semaphore_mem>>)
    %dma_wait3A = arith.constant 0 : i32
    %dma_wait3A_14 = arith.constant 0 : i32
    %dma_wait3A_15 = tpu.memref_slice %arg3[%dma_wait3A, %dma_wait3A_14] : memref<8192x1024xf32, #tpu.memory_space<hbm>> -> memref<8192x1024xf32, #tpu.memory_space<hbm>>
    tpu.wait_indirect_dma semaphore(%arg9 : memref<!tpu.dma_semaphore, #tpu.memory_space<semaphore_mem>>) src(%dma_wait3A_15 : memref<8192x1024xf32, #tpu.memory_space<hbm>>) dst(%arg7 : memref<32x1024xf32, #tpu.memory_space<vmem>>)
    %mul3A_16 = arith.constant 128 : i32
    %mul3A_17 = arith.muli %add3A, %mul3A_16 : i32
    %add3A_18 = arith.constant 0 : i32
    %add3A_19 = arith.addi %mul3A_17, %add3A_18 : i32
    "tpu.region"() ({
      %run_scoped3A = tpu.sem_alloc : memref<!tpu.dma_semaphore, #tpu.memory_space<semaphore_mem>>
      %dma_start3A_55 = arith.constant 0 : i32
      %dma_start3A_56 = tpu.memref_slice %arg4[%add3A_19, %dma_start3A_55] : memref<4096x1024xf32, #tpu.memory_space<hbm>> -> memref<32x1024xf32, #tpu.memory_space<hbm>>
      %dma_start3A_57 = arith.constant 0 : i32
      %dma_start3A_58 = tpu.memref_slice %arg4[%add3A_19, %dma_start3A_57] : memref<4096x1024xf32, #tpu.memory_space<hbm>> -> memref<32x1024xf32, #tpu.memory_space<hbm>>
      tpu.enqueue_dma source(%arg7 : memref<32x1024xf32, #tpu.memory_space<vmem>>) target(%dma_start3A_58 : memref<32x1024xf32, #tpu.memory_space<hbm>>) target_semaphore(%run_scoped3A : memref<!tpu.dma_semaphore, #tpu.memory_space<semaphore_mem>>)
      %dma_wait3A_59 = arith.constant 0 : i32
      %dma_wait3A_60 = tpu.memref_slice %arg4[%add3A_19, %dma_wait3A_59] : memref<4096x1024xf32, #tpu.memory_space<hbm>> -> memref<32x1024xf32, #tpu.memory_space<hbm>>
      %dma_wait3A_61 = arith.constant 0 : i32
      %dma_wait3A_62 = tpu.memref_slice %arg4[%add3A_19, %dma_wait3A_61] : memref<4096x1024xf32, #tpu.memory_space<hbm>> -> memref<32x1024xf32, #tpu.memory_space<hbm>>
      tpu.wait_dma2 semaphore(%run_scoped3A : memref<!tpu.dma_semaphore, #tpu.memory_space<semaphore_mem>>) src(%arg7 : memref<32x1024xf32, #tpu.memory_space<vmem>>) dst(%dma_wait3A_62 : memref<32x1024xf32, #tpu.memory_space<hbm>>)
      tpu.yield
    }) : () -> ()
    %mul3A_20 = arith.constant 128 : i32
    %mul3A_21 = arith.muli %add3A, %mul3A_20 : i32
    %add3A_22 = arith.constant 64 : i32
    %add3A_23 = arith.addi %mul3A_21, %add3A_22 : i32
    "tpu.region"() ({
      %run_scoped3A = tpu.sem_alloc : memref<!tpu.dma_semaphore, #tpu.memory_space<semaphore_mem>>
      %dma_start3A_55 = tpu.memref_slice %arg2[%add3A_23] : memref<4096xi32, #tpu.memory_space<hbm>> -> memref<32xi32, #tpu.memory_space<hbm>>
      %dma_start3A_56 = tpu.memref_slice %arg2[%add3A_23] : memref<4096xi32, #tpu.memory_space<hbm>> -> memref<32xi32, #tpu.memory_space<hbm>>
      tpu.enqueue_dma source(%dma_start3A_56 : memref<32xi32, #tpu.memory_space<hbm>>) target(%arg5 : memref<32xi32, #tpu.memory_space<vmem>>) target_semaphore(%run_scoped3A : memref<!tpu.dma_semaphore, #tpu.memory_space<semaphore_mem>>)
      %dma_wait3A_57 = tpu.memref_slice %arg2[%add3A_23] : memref<4096xi32, #tpu.memory_space<hbm>> -> memref<32xi32, #tpu.memory_space<hbm>>
      %dma_wait3A_58 = tpu.memref_slice %arg2[%add3A_23] : memref<4096xi32, #tpu.memory_space<hbm>> -> memref<32xi32, #tpu.memory_space<hbm>>
      tpu.wait_dma2 semaphore(%run_scoped3A : memref<!tpu.dma_semaphore, #tpu.memory_space<semaphore_mem>>) src(%dma_wait3A_58 : memref<32xi32, #tpu.memory_space<hbm>>) dst(%arg5 : memref<32xi32, #tpu.memory_space<vmem>>)
      tpu.yield
    }) : () -> ()
    %dma_start3A_24 = arith.constant 0 : i32
    %dma_start3A_25 = arith.constant 0 : i32
    %dma_start3A_26 = tpu.memref_slice %arg3[%dma_start3A_24, %dma_start3A_25] : memref<8192x1024xf32, #tpu.memory_space<hbm>> -> memref<8192x1024xf32, #tpu.memory_space<hbm>>
    tpu.enqueue_indirect_dma source(%dma_start3A_26 : memref<8192x1024xf32, #tpu.memory_space<hbm>>) target(%arg7 : memref<32x1024xf32, #tpu.memory_space<vmem>>) offsets(%arg5 : memref<32xi32, #tpu.memory_space<vmem>>) semaphore(%arg9 : memref<!tpu.dma_semaphore, #tpu.memory_space<semaphore_mem>>)
    %dma_wait3A_27 = arith.constant 0 : i32
    %dma_wait3A_28 = arith.constant 0 : i32
    %dma_wait3A_29 = tpu.memref_slice %arg3[%dma_wait3A_27, %dma_wait3A_28] : memref<8192x1024xf32, #tpu.memory_space<hbm>> -> memref<8192x1024xf32, #tpu.memory_space<hbm>>
    tpu.wait_indirect_dma semaphore(%arg10 : memref<!tpu.dma_semaphore, #tpu.memory_space<semaphore_mem>>) src(%dma_wait3A_29 : memref<8192x1024xf32, #tpu.memory_space<hbm>>) dst(%arg8 : memref<32x1024xf32, #tpu.memory_space<vmem>>)
    %mul3A_30 = arith.constant 128 : i32
    %mul3A_31 = arith.muli %add3A, %mul3A_30 : i32
    %add3A_32 = arith.constant 32 : i32
    %add3A_33 = arith.addi %mul3A_31, %add3A_32 : i32
    "tpu.region"() ({
      %run_scoped3A = tpu.sem_alloc : memref<!tpu.dma_semaphore, #tpu.memory_space<semaphore_mem>>
      %dma_start3A_55 = arith.constant 0 : i32
      %dma_start3A_56 = tpu.memref_slice %arg4[%add3A_33, %dma_start3A_55] : memref<4096x1024xf32, #tpu.memory_space<hbm>> -> memref<32x1024xf32, #tpu.memory_space<hbm>>
      %dma_start3A_57 = arith.constant 0 : i32
      %dma_start3A_58 = tpu.memref_slice %arg4[%add3A_33, %dma_start3A_57] : memref<4096x1024xf32, #tpu.memory_space<hbm>> -> memref<32x1024xf32, #tpu.memory_space<hbm>>
      tpu.enqueue_dma source(%arg8 : memref<32x1024xf32, #tpu.memory_space<vmem>>) target(%dma_start3A_58 : memref<32x1024xf32, #tpu.memory_space<hbm>>) target_semaphore(%run_scoped3A : memref<!tpu.dma_semaphore, #tpu.memory_space<semaphore_mem>>)
      %dma_wait3A_59 = arith.constant 0 : i32
      %dma_wait3A_60 = tpu.memref_slice %arg4[%add3A_33, %dma_wait3A_59] : memref<4096x1024xf32, #tpu.memory_space<hbm>> -> memref<32x1024xf32, #tpu.memory_space<hbm>>
      %dma_wait3A_61 = arith.constant 0 : i32
      %dma_wait3A_62 = tpu.memref_slice %arg4[%add3A_33, %dma_wait3A_61] : memref<4096x1024xf32, #tpu.memory_space<hbm>> -> memref<32x1024xf32, #tpu.memory_space<hbm>>
      tpu.wait_dma2 semaphore(%run_scoped3A : memref<!tpu.dma_semaphore, #tpu.memory_space<semaphore_mem>>) src(%arg8 : memref<32x1024xf32, #tpu.memory_space<vmem>>) dst(%dma_wait3A_62 : memref<32x1024xf32, #tpu.memory_space<hbm>>)
      tpu.yield
    }) : () -> ()
    %mul3A_34 = arith.constant 128 : i32
    %mul3A_35 = arith.muli %add3A, %mul3A_34 : i32
    %add3A_36 = arith.constant 96 : i32
    %add3A_37 = arith.addi %mul3A_35, %add3A_36 : i32
    "tpu.region"() ({
      %run_scoped3A = tpu.sem_alloc : memref<!tpu.dma_semaphore, #tpu.memory_space<semaphore_mem>>
      %dma_start3A_55 = tpu.memref_slice %arg2[%add3A_37] : memref<4096xi32, #tpu.memory_space<hbm>> -> memref<32xi32, #tpu.memory_space<hbm>>
      %dma_start3A_56 = tpu.memref_slice %arg2[%add3A_37] : memref<4096xi32, #tpu.memory_space<hbm>> -> memref<32xi32, #tpu.memory_space<hbm>>
      tpu.enqueue_dma source(%dma_start3A_56 : memref<32xi32, #tpu.memory_space<hbm>>) target(%arg6 : memref<32xi32, #tpu.memory_space<vmem>>) target_semaphore(%run_scoped3A : memref<!tpu.dma_semaphore, #tpu.memory_space<semaphore_mem>>)
      %dma_wait3A_57 = tpu.memref_slice %arg2[%add3A_37] : memref<4096xi32, #tpu.memory_space<hbm>> -> memref<32xi32, #tpu.memory_space<hbm>>
      %dma_wait3A_58 = tpu.memref_slice %arg2[%add3A_37] : memref<4096xi32, #tpu.memory_space<hbm>> -> memref<32xi32, #tpu.memory_space<hbm>>
      tpu.wait_dma2 semaphore(%run_scoped3A : memref<!tpu.dma_semaphore, #tpu.memory_space<semaphore_mem>>) src(%dma_wait3A_58 : memref<32xi32, #tpu.memory_space<hbm>>) dst(%arg6 : memref<32xi32, #tpu.memory_space<vmem>>)
      tpu.yield
    }) : () -> ()
    %dma_start3A_38 = arith.constant 0 : i32
    %dma_start3A_39 = arith.constant 0 : i32
    %dma_start3A_40 = tpu.memref_slice %arg3[%dma_start3A_38, %dma_start3A_39] : memref<8192x1024xf32, #tpu.memory_space<hbm>> -> memref<8192x1024xf32, #tpu.memory_space<hbm>>
    tpu.enqueue_indirect_dma source(%dma_start3A_40 : memref<8192x1024xf32, #tpu.memory_space<hbm>>) target(%arg8 : memref<32x1024xf32, #tpu.memory_space<vmem>>) offsets(%arg6 : memref<32xi32, #tpu.memory_space<vmem>>) semaphore(%arg10 : memref<!tpu.dma_semaphore, #tpu.memory_space<semaphore_mem>>)
    %dma_wait3A_41 = arith.constant 0 : i32
    %dma_wait3A_42 = arith.constant 0 : i32
    %dma_wait3A_43 = tpu.memref_slice %arg3[%dma_wait3A_41, %dma_wait3A_42] : memref<8192x1024xf32, #tpu.memory_space<hbm>> -> memref<8192x1024xf32, #tpu.memory_space<hbm>>
    tpu.wait_indirect_dma semaphore(%arg9 : memref<!tpu.dma_semaphore, #tpu.memory_space<semaphore_mem>>) src(%dma_wait3A_43 : memref<8192x1024xf32, #tpu.memory_space<hbm>>) dst(%arg7 : memref<32x1024xf32, #tpu.memory_space<vmem>>)
    %mul3A_44 = arith.constant 128 : i32
    %mul3A_45 = arith.muli %add3A, %mul3A_44 : i32
    %add3A_46 = arith.constant 64 : i32
    %add3A_47 = arith.addi %mul3A_45, %add3A_46 : i32
    "tpu.region"() ({
      %run_scoped3A = tpu.sem_alloc : memref<!tpu.dma_semaphore, #tpu.memory_space<semaphore_mem>>
      %dma_start3A_55 = arith.constant 0 : i32
      %dma_start3A_56 = tpu.memref_slice %arg4[%add3A_47, %dma_start3A_55] : memref<4096x1024xf32, #tpu.memory_space<hbm>> -> memref<32x1024xf32, #tpu.memory_space<hbm>>
      %dma_start3A_57 = arith.constant 0 : i32
      %dma_start3A_58 = tpu.memref_slice %arg4[%add3A_47, %dma_start3A_57] : memref<4096x1024xf32, #tpu.memory_space<hbm>> -> memref<32x1024xf32, #tpu.memory_space<hbm>>
      tpu.enqueue_dma source(%arg7 : memref<32x1024xf32, #tpu.memory_space<vmem>>) target(%dma_start3A_58 : memref<32x1024xf32, #tpu.memory_space<hbm>>) target_semaphore(%run_scoped3A : memref<!tpu.dma_semaphore, #tpu.memory_space<semaphore_mem>>)
      %dma_wait3A_59 = arith.constant 0 : i32
      %dma_wait3A_60 = tpu.memref_slice %arg4[%add3A_47, %dma_wait3A_59] : memref<4096x1024xf32, #tpu.memory_space<hbm>> -> memref<32x1024xf32, #tpu.memory_space<hbm>>
      %dma_wait3A_61 = arith.constant 0 : i32
      %dma_wait3A_62 = tpu.memref_slice %arg4[%add3A_47, %dma_wait3A_61] : memref<4096x1024xf32, #tpu.memory_space<hbm>> -> memref<32x1024xf32, #tpu.memory_space<hbm>>
      tpu.wait_dma2 semaphore(%run_scoped3A : memref<!tpu.dma_semaphore, #tpu.memory_space<semaphore_mem>>) src(%arg7 : memref<32x1024xf32, #tpu.memory_space<vmem>>) dst(%dma_wait3A_62 : memref<32x1024xf32, #tpu.memory_space<hbm>>)
      tpu.yield
    }) : () -> ()
    %dma_wait3A_48 = arith.constant 0 : i32
    %dma_wait3A_49 = arith.constant 0 : i32
    %dma_wait3A_50 = tpu.memref_slice %arg3[%dma_wait3A_48, %dma_wait3A_49] : memref<8192x1024xf32, #tpu.memory_space<hbm>> -> memref<8192x1024xf32, #tpu.memory_space<hbm>>
    tpu.wait_indirect_dma semaphore(%arg10 : memref<!tpu.dma_semaphore, #tpu.memory_space<semaphore_mem>>) src(%dma_wait3A_50 : memref<8192x1024xf32, #tpu.memory_space<hbm>>) dst(%arg8 : memref<32x1024xf32, #tpu.memory_space<vmem>>)
    %mul3A_51 = arith.constant 128 : i32
    %mul3A_52 = arith.muli %add3A, %mul3A_51 : i32
    %add3A_53 = arith.constant 96 : i32
    %add3A_54 = arith.addi %mul3A_52, %add3A_53 : i32
    "tpu.region"() ({
      %run_scoped3A = tpu.sem_alloc : memref<!tpu.dma_semaphore, #tpu.memory_space<semaphore_mem>>
      %dma_start3A_55 = arith.constant 0 : i32
      %dma_start3A_56 = tpu.memref_slice %arg4[%add3A_54, %dma_start3A_55] : memref<4096x1024xf32, #tpu.memory_space<hbm>> -> memref<32x1024xf32, #tpu.memory_space<hbm>>
      %dma_start3A_57 = arith.constant 0 : i32
      %dma_start3A_58 = tpu.memref_slice %arg4[%add3A_54, %dma_start3A_57] : memref<4096x1024xf32, #tpu.memory_space<hbm>> -> memref<32x1024xf32, #tpu.memory_space<hbm>>
      tpu.enqueue_dma source(%arg8 : memref<32x1024xf32, #tpu.memory_space<vmem>>) target(%dma_start3A_58 : memref<32x1024xf32, #tpu.memory_space<hbm>>) target_semaphore(%run_scoped3A : memref<!tpu.dma_semaphore, #tpu.memory_space<semaphore_mem>>)
      %dma_wait3A_59 = arith.constant 0 : i32
      %dma_wait3A_60 = tpu.memref_slice %arg4[%add3A_54, %dma_wait3A_59] : memref<4096x1024xf32, #tpu.memory_space<hbm>> -> memref<32x1024xf32, #tpu.memory_space<hbm>>
      %dma_wait3A_61 = arith.constant 0 : i32
      %dma_wait3A_62 = tpu.memref_slice %arg4[%add3A_54, %dma_wait3A_61] : memref<4096x1024xf32, #tpu.memory_space<hbm>> -> memref<32x1024xf32, #tpu.memory_space<hbm>>
      tpu.wait_dma2 semaphore(%run_scoped3A : memref<!tpu.dma_semaphore, #tpu.memory_space<semaphore_mem>>) src(%arg8 : memref<32x1024xf32, #tpu.memory_space<vmem>>) dst(%dma_wait3A_62 : memref<32x1024xf32, #tpu.memory_space<hbm>>)
      tpu.yield
    }) : () -> ()
    return
  }
}

#map = affine_map<(d0, d1) -> (0)>
module attributes {stable_mosaic.version = 14 : i64} {
  func.func @_compact_body(%arg0: i32, %arg1: i32, %arg2: memref<4096xi32, #tpu.memory_space<hbm>>, %arg3: memref<4112xi32, #tpu.memory_space<hbm>>, %arg4: memref<16xi32, #tpu.memory_space<hbm>>, %arg5: memref<4096xi32, #tpu.memory_space<vmem>>, %arg6: memref<4112xi32, #tpu.memory_space<vmem>>, %arg7: memref<16xi32, #tpu.memory_space<vmem>>) attributes {dimension_semantics = [#tpu.dimension_semantics<core_parallel>, #tpu.dimension_semantics<subcore_parallel>], iteration_bounds = array<i64: 2, 16>, scalar_prefetch = 0 : i64, scratch_operands = 3 : i64, tpu.core_type = #tpu.core_type<sc_vector_subcore>, window_params = [{transform_indices = #map}, {transform_indices = #map}, {transform_indices = #map}]} {
    %mul3A = arith.constant 2 : i32
    %mul3A_0 = arith.muli %arg1, %mul3A : i32
    %add3A = arith.addi %mul3A_0, %arg0 : i32
    %eq3A = arith.constant 0 : i32
    %eq3A_1 = arith.cmpi eq, %add3A, %eq3A : i32
    %convert_element_type3A = arith.extui %eq3A_1 : i1 to i32
    %cond3A = arith.constant 0 : i32
    %cond3A_2 = arith.cmpi ne, %convert_element_type3A, %cond3A : i32
    scf.if %cond3A_2 {
      "tpu.region"() ({
        %run_scoped3A = tpu.sem_alloc : memref<!tpu.dma_semaphore, #tpu.memory_space<semaphore_mem>>
        tpu.enqueue_dma source(%arg2 : memref<4096xi32, #tpu.memory_space<hbm>>) target(%arg5 : memref<4096xi32, #tpu.memory_space<vmem>>) target_semaphore(%run_scoped3A : memref<!tpu.dma_semaphore, #tpu.memory_space<semaphore_mem>>)
        tpu.wait_dma2 semaphore(%run_scoped3A : memref<!tpu.dma_semaphore, #tpu.memory_space<semaphore_mem>>) src(%arg2 : memref<4096xi32, #tpu.memory_space<hbm>>) dst(%arg5 : memref<4096xi32, #tpu.memory_space<vmem>>)
        tpu.yield
      }) : () -> ()
      %scan3A = arith.constant 0 : i32
      %scan3A_3 = arith.constant 0 : i32
      %scan3A_4 = arith.constant 256 : i32
      %scan3A_5 = arith.addi %scan3A_3, %scan3A_4 : i32
      %scan3A_6 = arith.constant 1 : i32
      %scan3A_7 = scf.for %scan3A_14 = %scan3A_3 to %scan3A_5 step %scan3A_6 iter_args(%scan3A_15 = %scan3A) -> (i32)  : i32 {
        %mul3A_16 = arith.constant 16 : i32
        %mul3A_17 = arith.muli %scan3A_14, %mul3A_16 : i32
        %get3A = arith.index_cast %mul3A_17 : i32 to index
        %get3A_18 = tpu.vector_load %arg5[%get3A] {strides = array<i32>} : memref<4096xi32, #tpu.memory_space<vmem>>, vector<16xi32>,
        %iota3A = tpu.iota {dimensions = array<i32: 0>} : vector<16xi32>
        %mul3A_19 = arith.constant 16 : i32
        %mul3A_20 = arith.muli %scan3A_14, %mul3A_19 : i32
        %add3A_21 = vector.broadcast %mul3A_20 : i32 to vector<16xi32>
        %add3A_22 = arith.addi %iota3A, %add3A_21 : vector<16xi32>
        %reduce_sum3A = arith.constant true
        %reduce_sum3A_23 = vector.broadcast %reduce_sum3A : i1 to vector<16xi1>
        %reduce_sum3A_24 = tpu.scan <sum>, %get3A_18 masked %reduce_sum3A_23 : vector<16xi32>, vector<16xi1> -> vector<16xi32>
        %reduce_sum3A_25 = vector.extract %reduce_sum3A_24[15] : i32 from vector<16xi32>
        %ne3A = arith.constant 0 : i32
        %ne3A_26 = vector.broadcast %ne3A : i32 to vector<16xi32>
        %ne3A_27 = arith.cmpi ne, %get3A_18, %ne3A_26 : vector<16xi32>
        %swap3A_28 = arith.index_cast %scan3A_15 : i32 to index
        %swap3A_29 = tpu.vector_load %arg6[%swap3A_28] masked %ne3A_27 {strides = array<i32>} : memref<4112xi32, #tpu.memory_space<vmem>>, vector<16xi32>, vector<16xi1>
        tpu.vector_store %arg6[%swap3A_28], %add3A_22 masked %ne3A_27 {strides = array<i32>} : memref<4112xi32, #tpu.memory_space<vmem>>, vector<16xi32>, vector<16xi1>
        %add3A_30 = arith.addi %scan3A_15, %reduce_sum3A_25 : i32
        scf.yield %add3A_30 : i32
      }
      %scan3A_8 = arith.constant 256 : i32
      %broadcast_in_dim3A = arith.constant 0 : i32
      %broadcast_in_dim3A_9 = vector.broadcast %broadcast_in_dim3A : i32 to vector<16xi32>
      %swap3A = arith.index_cast %scan3A_7 : i32 to index
      %swap3A_10 = tpu.vector_load %arg6[%swap3A] {strides = array<i32>} : memref<4112xi32, #tpu.memory_space<vmem>>, vector<16xi32>,
      tpu.vector_store %arg6[%swap3A], %broadcast_in_dim3A_9 {strides = array<i32>} : memref<4112xi32, #tpu.memory_space<vmem>>, vector<16xi32>,
      %broadcast_in_dim3A_11 = vector.broadcast %scan3A_7 : i32 to vector<16xi32>
      %swap3A_12 = arith.constant 0 : index
      %swap3A_13 = tpu.vector_load %arg7[%swap3A_12] {strides = array<i32>} : memref<16xi32, #tpu.memory_space<vmem>>, vector<16xi32>,
      tpu.vector_store %arg7[%swap3A_12], %broadcast_in_dim3A_11 {strides = array<i32>} : memref<16xi32, #tpu.memory_space<vmem>>, vector<16xi32>,
      "tpu.region"() ({
        %run_scoped3A = tpu.sem_alloc : memref<!tpu.dma_semaphore, #tpu.memory_space<semaphore_mem>>
        tpu.enqueue_dma source(%arg6 : memref<4112xi32, #tpu.memory_space<vmem>>) target(%arg3 : memref<4112xi32, #tpu.memory_space<hbm>>) target_semaphore(%run_scoped3A : memref<!tpu.dma_semaphore, #tpu.memory_space<semaphore_mem>>)
        tpu.wait_dma2 semaphore(%run_scoped3A : memref<!tpu.dma_semaphore, #tpu.memory_space<semaphore_mem>>) src(%arg6 : memref<4112xi32, #tpu.memory_space<vmem>>) dst(%arg3 : memref<4112xi32, #tpu.memory_space<hbm>>)
        tpu.yield
      }) : () -> ()
      "tpu.region"() ({
        %run_scoped3A = tpu.sem_alloc : memref<!tpu.dma_semaphore, #tpu.memory_space<semaphore_mem>>
        tpu.enqueue_dma source(%arg7 : memref<16xi32, #tpu.memory_space<vmem>>) target(%arg4 : memref<16xi32, #tpu.memory_space<hbm>>) target_semaphore(%run_scoped3A : memref<!tpu.dma_semaphore, #tpu.memory_space<semaphore_mem>>)
        tpu.wait_dma2 semaphore(%run_scoped3A : memref<!tpu.dma_semaphore, #tpu.memory_space<semaphore_mem>>) src(%arg7 : memref<16xi32, #tpu.memory_space<vmem>>) dst(%arg4 : memref<16xi32, #tpu.memory_space<hbm>>)
        tpu.yield
      }) : () -> ()
    } else {
    }
    return
  }
}

#map = affine_map<(d0, d1) -> (0)>
#map1 = affine_map<(d0, d1) -> (0, 0)>
module attributes {stable_mosaic.version = 14 : i64} {
  func.func @_gather_rows_body(%arg0: i32, %arg1: i32, %arg2: memref<4112xi32, #tpu.memory_space<hbm>>, %arg3: memref<16xi32, #tpu.memory_space<hbm>>, %arg4: memref<4096x1024xf32, #tpu.memory_space<hbm>>, %arg5: memref<4096x1024xf32, #tpu.memory_space<hbm>>, %arg6: memref<16xi32, #tpu.memory_space<vmem>>, %arg7: memref<16xi32, #tpu.memory_space<vmem>>, %arg8: memref<16x1024xf32, #tpu.memory_space<vmem>>, %arg9: memref<!tpu.dma_semaphore, #tpu.memory_space<semaphore_mem>>) attributes {dimension_semantics = [#tpu.dimension_semantics<core_parallel>, #tpu.dimension_semantics<subcore_parallel>], iteration_bounds = array<i64: 2, 16>, scalar_prefetch = 0 : i64, scratch_operands = 4 : i64, tpu.core_type = #tpu.core_type<sc_vector_subcore>, window_params = [{transform_indices = #map}, {transform_indices = #map}, {transform_indices = #map1}, {transform_indices = #map1}]} {
    %mul3A = arith.constant 2 : i32
    %mul3A_0 = arith.muli %arg1, %mul3A : i32
    %add3A = arith.addi %mul3A_0, %arg0 : i32
    "tpu.region"() ({
      %run_scoped3A = tpu.sem_alloc : memref<!tpu.dma_semaphore, #tpu.memory_space<semaphore_mem>>
      tpu.enqueue_dma source(%arg3 : memref<16xi32, #tpu.memory_space<hbm>>) target(%arg6 : memref<16xi32, #tpu.memory_space<vmem>>) target_semaphore(%run_scoped3A : memref<!tpu.dma_semaphore, #tpu.memory_space<semaphore_mem>>)
      tpu.wait_dma2 semaphore(%run_scoped3A : memref<!tpu.dma_semaphore, #tpu.memory_space<semaphore_mem>>) src(%arg3 : memref<16xi32, #tpu.memory_space<hbm>>) dst(%arg6 : memref<16xi32, #tpu.memory_space<vmem>>)
      tpu.yield
    }) : () -> ()
    %get3A = arith.constant 0 : index
    %get3A_1 = tpu.vector_load %arg6[%get3A] {strides = array<i32>} : memref<16xi32, #tpu.memory_space<vmem>>, vector<16xi32>,
    %reduce_max3A = arith.constant true
    %reduce_max3A_2 = vector.broadcast %reduce_max3A : i1 to vector<16xi1>
    %reduce_max3A_3 = arith.constant -2147483648 : i32
    %reduce_max3A_4 = vector.broadcast %reduce_max3A_3 : i32 to vector<16xi32>
    %reduce_max3A_5 = arith.xori %get3A_1, %reduce_max3A_4 : vector<16xi32>
    %reduce_max3A_6 = tpu.scan <max>, %reduce_max3A_5 masked %reduce_max3A_2 : vector<16xi32>, vector<16xi1> -> vector<16xi32>
    %reduce_max3A_7 = arith.xori %reduce_max3A_6, %reduce_max3A_4 : vector<16xi32>
    %reduce_max3A_8 = vector.extract %reduce_max3A_7[15] : i32 from vector<16xi32>
    %add3A_9 = arith.constant 15 : i32
    %add3A_10 = arith.addi %reduce_max3A_8, %add3A_9 : i32
    %jit3A = arith.constant 16 : i32
    %div3A = arith.divsi %add3A_10, %jit3A : i32
    %sign3A = arith.constant 0 : i32
    %sign3A_11 = arith.cmpi sgt, %add3A_10, %sign3A : i32
    %sign3A_12 = arith.extui %sign3A_11 : i1 to i32
    %sign3A_13 = arith.constant 0 : i32
    %sign3A_14 = arith.cmpi slt, %add3A_10, %sign3A_13 : i32
    %sign3A_15 = arith.extui %sign3A_14 : i1 to i32
    %sign3A_16 = arith.subi %sign3A_12, %sign3A_15 : i32
    %sign3A_17 = arith.constant 0 : i32
    %sign3A_18 = arith.cmpi sgt, %jit3A, %sign3A_17 : i32
    %sign3A_19 = arith.extui %sign3A_18 : i1 to i32
    %sign3A_20 = arith.constant 0 : i32
    %sign3A_21 = arith.cmpi slt, %jit3A, %sign3A_20 : i32
    %sign3A_22 = arith.extui %sign3A_21 : i1 to i32
    %sign3A_23 = arith.subi %sign3A_19, %sign3A_22 : i32
    %ne3A = arith.cmpi ne, %sign3A_16, %sign3A_23 : i32
    %rem3A = arith.remsi %add3A_10, %jit3A : i32
    %ne3A_24 = arith.constant 0 : i32
    %ne3A_25 = arith.cmpi ne, %rem3A, %ne3A_24 : i32
    %and3A = arith.andi %ne3A, %ne3A_25 : i1
    %sub3A = arith.constant 1 : i32
    %sub3A_26 = arith.subi %div3A, %sub3A : i32
    %select_n3A = arith.select %and3A, %sub3A_26, %div3A : i32
    %sub3A_27 = arith.subi %select_n3A, %add3A : i32
    %add3A_28 = arith.constant 32 : i32
    %add3A_29 = arith.addi %sub3A_27, %add3A_28 : i32
    %sub3A_30 = arith.constant 1 : i32
    %sub3A_31 = arith.subi %add3A_29, %sub3A_30 : i32
    %jit3A_32 = arith.constant 32 : i32
    %div3A_33 = arith.divsi %sub3A_31, %jit3A_32 : i32
    %sign3A_34 = arith.constant 0 : i32
    %sign3A_35 = arith.cmpi sgt, %sub3A_31, %sign3A_34 : i32
    %sign3A_36 = arith.extui %sign3A_35 : i1 to i32
    %sign3A_37 = arith.constant 0 : i32
    %sign3A_38 = arith.cmpi slt, %sub3A_31, %sign3A_37 : i32
    %sign3A_39 = arith.extui %sign3A_38 : i1 to i32
    %sign3A_40 = arith.subi %sign3A_36, %sign3A_39 : i32
    %sign3A_41 = arith.constant 0 : i32
    %sign3A_42 = arith.cmpi sgt, %jit3A_32, %sign3A_41 : i32
    %sign3A_43 = arith.extui %sign3A_42 : i1 to i32
    %sign3A_44 = arith.constant 0 : i32
    %sign3A_45 = arith.cmpi slt, %jit3A_32, %sign3A_44 : i32
    %sign3A_46 = arith.extui %sign3A_45 : i1 to i32
    %sign3A_47 = arith.subi %sign3A_43, %sign3A_46 : i32
    %ne3A_48 = arith.cmpi ne, %sign3A_40, %sign3A_47 : i32
    %rem3A_49 = arith.remsi %sub3A_31, %jit3A_32 : i32
    %ne3A_50 = arith.constant 0 : i32
    %ne3A_51 = arith.cmpi ne, %rem3A_49, %ne3A_50 : i32
    %and3A_52 = arith.andi %ne3A_48, %ne3A_51 : i1
    %sub3A_53 = arith.constant 1 : i32
    %sub3A_54 = arith.subi %div3A_33, %sub3A_53 : i32
    %select_n3A_55 = arith.select %and3A_52, %sub3A_54, %div3A_33 : i32
    %max3A = arith.constant 0 : i32
    %max3A_56 = arith.maxsi %max3A, %select_n3A_55 : i32
    %while3A = arith.constant 0 : i32
    %while3A_57 = arith.constant 0 : i32
    %while3A_58 = arith.subi %max3A_56, %while3A : i32
    %while3A_59 = arith.addi %while3A, %while3A_58 : i32
    %while3A_60 = arith.constant 1 : i32
    %while3A_61 = arith.divsi %while3A_58, %while3A_60 : i32
    %while3A_62 = arith.muli %while3A_61, %while3A_60 : i32
    %while3A_63 = arith.addi %while3A, %while3A_62 : i32
    %while3A_64 = arith.constant 1 : i32
    %while3A_65 = scf.for %while3A_68 = %while3A to %while3A_63 step %while3A_64 iter_args(%while3A_69 = %while3A_57) -> (i32)  : i32 {
      %mul3A_70 = arith.constant 32 : i32
      %mul3A_71 = arith.muli %while3A_68, %mul3A_70 : i32
      %add3A_72 = arith.addi %add3A, %mul3A_71 : i32
      %mul3A_73 = arith.constant 16 : i32
      %mul3A_74 = arith.muli %add3A_72, %mul3A_73 : i32
      "tpu.region"() ({
        %run_scoped3A = tpu.sem_alloc : memref<!tpu.dma_semaphore, #tpu.memory_space<semaphore_mem>>
        %dma_start3A_80 = tpu.memref_slice %arg2[%mul3A_74] : memref<4112xi32, #tpu.memory_space<hbm>> -> memref<16xi32, #tpu.memory_space<hbm>>
        %dma_start3A_81 = tpu.memref_slice %arg2[%mul3A_74] : memref<4112xi32, #tpu.memory_space<hbm>> -> memref<16xi32, #tpu.memory_space<hbm>>
        tpu.enqueue_dma source(%dma_start3A_81 : memref<16xi32, #tpu.memory_space<hbm>>) target(%arg7 : memref<16xi32, #tpu.memory_space<vmem>>) target_semaphore(%run_scoped3A : memref<!tpu.dma_semaphore, #tpu.memory_space<semaphore_mem>>)
        %dma_wait3A_82 = tpu.memref_slice %arg2[%mul3A_74] : memref<4112xi32, #tpu.memory_space<hbm>> -> memref<16xi32, #tpu.memory_space<hbm>>
        %dma_wait3A_83 = tpu.memref_slice %arg2[%mul3A_74] : memref<4112xi32, #tpu.memory_space<hbm>> -> memref<16xi32, #tpu.memory_space<hbm>>
        tpu.wait_dma2 semaphore(%run_scoped3A : memref<!tpu.dma_semaphore, #tpu.memory_space<semaphore_mem>>) src(%dma_wait3A_83 : memref<16xi32, #tpu.memory_space<hbm>>) dst(%arg7 : memref<16xi32, #tpu.memory_space<vmem>>)
        tpu.yield
      }) : () -> ()
      %dma_start3A = arith.constant 0 : i32
      %dma_start3A_75 = arith.constant 0 : i32
      %dma_start3A_76 = tpu.memref_slice %arg4[%dma_start3A, %dma_start3A_75] : memref<4096x1024xf32, #tpu.memory_space<hbm>> -> memref<4096x1024xf32, #tpu.memory_space<hbm>>
      tpu.enqueue_indirect_dma source(%dma_start3A_76 : memref<4096x1024xf32, #tpu.memory_space<hbm>>) target(%arg8 : memref<16x1024xf32, #tpu.memory_space<vmem>>) offsets(%arg7 : memref<16xi32, #tpu.memory_space<vmem>>) semaphore(%arg9 : memref<!tpu.dma_semaphore, #tpu.memory_space<semaphore_mem>>)
      %dma_wait3A = arith.constant 0 : i32
      %dma_wait3A_77 = arith.constant 0 : i32
      %dma_wait3A_78 = tpu.memref_slice %arg4[%dma_wait3A, %dma_wait3A_77] : memref<4096x1024xf32, #tpu.memory_space<hbm>> -> memref<4096x1024xf32, #tpu.memory_space<hbm>>
      tpu.wait_indirect_dma semaphore(%arg9 : memref<!tpu.dma_semaphore, #tpu.memory_space<semaphore_mem>>) src(%dma_wait3A_78 : memref<4096x1024xf32, #tpu.memory_space<hbm>>) dst(%arg8 : memref<16x1024xf32, #tpu.memory_space<vmem>>)
      "tpu.region"() ({
        %run_scoped3A = tpu.sem_alloc : memref<!tpu.dma_semaphore, #tpu.memory_space<semaphore_mem>>
        %dma_start3A_80 = arith.constant 0 : i32
        %dma_start3A_81 = tpu.memref_slice %arg5[%mul3A_74, %dma_start3A_80] : memref<4096x1024xf32, #tpu.memory_space<hbm>> -> memref<16x1024xf32, #tpu.memory_space<hbm>>
        %dma_start3A_82 = arith.constant 0 : i32
        %dma_start3A_83 = tpu.memref_slice %arg5[%mul3A_74, %dma_start3A_82] : memref<4096x1024xf32, #tpu.memory_space<hbm>> -> memref<16x1024xf32, #tpu.memory_space<hbm>>
        tpu.enqueue_dma source(%arg8 : memref<16x1024xf32, #tpu.memory_space<vmem>>) target(%dma_start3A_83 : memref<16x1024xf32, #tpu.memory_space<hbm>>) target_semaphore(%run_scoped3A : memref<!tpu.dma_semaphore, #tpu.memory_space<semaphore_mem>>)
        %dma_wait3A_84 = arith.constant 0 : i32
        %dma_wait3A_85 = tpu.memref_slice %arg5[%mul3A_74, %dma_wait3A_84] : memref<4096x1024xf32, #tpu.memory_space<hbm>> -> memref<16x1024xf32, #tpu.memory_space<hbm>>
        %dma_wait3A_86 = arith.constant 0 : i32
        %dma_wait3A_87 = tpu.memref_slice %arg5[%mul3A_74, %dma_wait3A_86] : memref<4096x1024xf32, #tpu.memory_space<hbm>> -> memref<16x1024xf32, #tpu.memory_space<hbm>>
        tpu.wait_dma2 semaphore(%run_scoped3A : memref<!tpu.dma_semaphore, #tpu.memory_space<semaphore_mem>>) src(%arg8 : memref<16x1024xf32, #tpu.memory_space<vmem>>) dst(%dma_wait3A_87 : memref<16x1024xf32, #tpu.memory_space<hbm>>)
        tpu.yield
      }) : () -> ()
      %while3A_79 = arith.constant 0 : i32
      scf.yield %while3A_79 : i32
    }
    %while3A_66 = arith.constant 1 : i32
    %while3A_67 = scf.for %while3A_68 = %while3A_63 to %while3A_59 step %while3A_66 iter_args(%while3A_69 = %while3A_65) -> (i32)  : i32 {
      %mul3A_70 = arith.constant 32 : i32
      %mul3A_71 = arith.muli %while3A_68, %mul3A_70 : i32
      %add3A_72 = arith.addi %add3A, %mul3A_71 : i32
      %mul3A_73 = arith.constant 16 : i32
      %mul3A_74 = arith.muli %add3A_72, %mul3A_73 : i32
      "tpu.region"() ({
        %run_scoped3A = tpu.sem_alloc : memref<!tpu.dma_semaphore, #tpu.memory_space<semaphore_mem>>
        %dma_start3A_80 = tpu.memref_slice %arg2[%mul3A_74] : memref<4112xi32, #tpu.memory_space<hbm>> -> memref<16xi32, #tpu.memory_space<hbm>>
        %dma_start3A_81 = tpu.memref_slice %arg2[%mul3A_74] : memref<4112xi32, #tpu.memory_space<hbm>> -> memref<16xi32, #tpu.memory_space<hbm>>
        tpu.enqueue_dma source(%dma_start3A_81 : memref<16xi32, #tpu.memory_space<hbm>>) target(%arg7 : memref<16xi32, #tpu.memory_space<vmem>>) target_semaphore(%run_scoped3A : memref<!tpu.dma_semaphore, #tpu.memory_space<semaphore_mem>>)
        %dma_wait3A_82 = tpu.memref_slice %arg2[%mul3A_74] : memref<4112xi32, #tpu.memory_space<hbm>> -> memref<16xi32, #tpu.memory_space<hbm>>
        %dma_wait3A_83 = tpu.memref_slice %arg2[%mul3A_74] : memref<4112xi32, #tpu.memory_space<hbm>> -> memref<16xi32, #tpu.memory_space<hbm>>
        tpu.wait_dma2 semaphore(%run_scoped3A : memref<!tpu.dma_semaphore, #tpu.memory_space<semaphore_mem>>) src(%dma_wait3A_83 : memref<16xi32, #tpu.memory_space<hbm>>) dst(%arg7 : memref<16xi32, #tpu.memory_space<vmem>>)
        tpu.yield
      }) : () -> ()
      %dma_start3A = arith.constant 0 : i32
      %dma_start3A_75 = arith.constant 0 : i32
      %dma_start3A_76 = tpu.memref_slice %arg4[%dma_start3A, %dma_start3A_75] : memref<4096x1024xf32, #tpu.memory_space<hbm>> -> memref<4096x1024xf32, #tpu.memory_space<hbm>>
      tpu.enqueue_indirect_dma source(%dma_start3A_76 : memref<4096x1024xf32, #tpu.memory_space<hbm>>) target(%arg8 : memref<16x1024xf32, #tpu.memory_space<vmem>>) offsets(%arg7 : memref<16xi32, #tpu.memory_space<vmem>>) semaphore(%arg9 : memref<!tpu.dma_semaphore, #tpu.memory_space<semaphore_mem>>)
      %dma_wait3A = arith.constant 0 : i32
      %dma_wait3A_77 = arith.constant 0 : i32
      %dma_wait3A_78 = tpu.memref_slice %arg4[%dma_wait3A, %dma_wait3A_77] : memref<4096x1024xf32, #tpu.memory_space<hbm>> -> memref<4096x1024xf32, #tpu.memory_space<hbm>>
      tpu.wait_indirect_dma semaphore(%arg9 : memref<!tpu.dma_semaphore, #tpu.memory_space<semaphore_mem>>) src(%dma_wait3A_78 : memref<4096x1024xf32, #tpu.memory_space<hbm>>) dst(%arg8 : memref<16x1024xf32, #tpu.memory_space<vmem>>)
      "tpu.region"() ({
        %run_scoped3A = tpu.sem_alloc : memref<!tpu.dma_semaphore, #tpu.memory_space<semaphore_mem>>
        %dma_start3A_80 = arith.constant 0 : i32
        %dma_start3A_81 = tpu.memref_slice %arg5[%mul3A_74, %dma_start3A_80] : memref<4096x1024xf32, #tpu.memory_space<hbm>> -> memref<16x1024xf32, #tpu.memory_space<hbm>>
        %dma_start3A_82 = arith.constant 0 : i32
        %dma_start3A_83 = tpu.memref_slice %arg5[%mul3A_74, %dma_start3A_82] : memref<4096x1024xf32, #tpu.memory_space<hbm>> -> memref<16x1024xf32, #tpu.memory_space<hbm>>
        tpu.enqueue_dma source(%arg8 : memref<16x1024xf32, #tpu.memory_space<vmem>>) target(%dma_start3A_83 : memref<16x1024xf32, #tpu.memory_space<hbm>>) target_semaphore(%run_scoped3A : memref<!tpu.dma_semaphore, #tpu.memory_space<semaphore_mem>>)
        %dma_wait3A_84 = arith.constant 0 : i32
        %dma_wait3A_85 = tpu.memref_slice %arg5[%mul3A_74, %dma_wait3A_84] : memref<4096x1024xf32, #tpu.memory_space<hbm>> -> memref<16x1024xf32, #tpu.memory_space<hbm>>
        %dma_wait3A_86 = arith.constant 0 : i32
        %dma_wait3A_87 = tpu.memref_slice %arg5[%mul3A_74, %dma_wait3A_86] : memref<4096x1024xf32, #tpu.memory_space<hbm>> -> memref<16x1024xf32, #tpu.memory_space<hbm>>
        tpu.wait_dma2 semaphore(%run_scoped3A : memref<!tpu.dma_semaphore, #tpu.memory_space<semaphore_mem>>) src(%arg8 : memref<16x1024xf32, #tpu.memory_space<vmem>>) dst(%dma_wait3A_87 : memref<16x1024xf32, #tpu.memory_space<hbm>>)
        tpu.yield
      }) : () -> ()
      %while3A_79 = arith.constant 0 : i32
      scf.yield %while3A_79 : i32
    }
    return
  }
}

module attributes {stable_mosaic.version = 14 : i64} {
  func.func @_logits_body(%arg0: i32, %arg1: memref<4096x1024xf32, #tpu.memory_space<vmem>>, %arg2: memref<1024x1024xf32, #tpu.memory_space<vmem>>, %arg3: memref<4096x1024xf32, #tpu.memory_space<vmem>>) attributes {dimension_semantics = [#tpu.dimension_semantics<arbitrary>], iteration_bounds = array<i64: 8>, scalar_prefetch = 0 : i64, scratch_operands = 0 : i64, tpu.core_type = #tpu.core_type<tc>, window_params = [{pipeline_mode = #tpu.pipeline_mode<synchronous>, transform_indices = @transform_0, window_bounds = array<i64: 4096, 1024>}, {transform_indices = @transform_1, window_bounds = array<i64: 1024, 1024>}, {transform_indices = @transform_2, window_bounds = array<i64: 4096, 1024>}]} {
    %get3A = arith.constant 0 : index
    %get3A_0 = arith.constant 0 : index
    %get3A_1 = vector.load %arg1[%get3A, %get3A_0] : memref<4096x1024xf32, #tpu.memory_space<vmem>>, vector<4096x1024xf32>
    %get3A_2 = arith.constant 0 : index
    %get3A_3 = arith.constant 0 : index
    %get3A_4 = vector.load %arg2[%get3A_2, %get3A_3] : memref<1024x1024xf32, #tpu.memory_space<vmem>>, vector<1024x1024xf32>
    %dot_general3A = arith.constant dense<0.000000e+00> : vector<4096x1024xf32>
    %dot_general3A_5 = tpu.matmul %get3A_1, %get3A_4, %dot_general3A {dimension_numbers = #tpu.dot_dimension_numbers<[1], [1], [0], [0], [0, 0, 1, 0], [], []>, transpose_lhs_hint = false} : vector<4096x1024xf32>, vector<1024x1024xf32>, vector<4096x1024xf32> -> vector<4096x1024xf32>
    %swap3A = arith.constant 0 : index
    %swap3A_6 = arith.constant 0 : index
    %swap3A_7 = vector.load %arg3[%swap3A, %swap3A_6] : memref<4096x1024xf32, #tpu.memory_space<vmem>>, vector<4096x1024xf32>
    tpu.vector_store %arg3[%swap3A, %swap3A_6], %dot_general3A_5 {strides = array<i32>} : memref<4096x1024xf32, #tpu.memory_space<vmem>>, vector<4096x1024xf32>,
    return
  }
  func.func @transform_0(%arg0: i32) -> (i32, i32) {
    %c0_i32 = arith.constant 0 : i32
    %c0_i32_0 = arith.constant 0 : i32
    %c0_i32_1 = arith.constant 0 : i32
    return %c0_i32, %c0_i32_0 : i32, i32
  }
  func.func @transform_1(%arg0: i32) -> (i32, i32) {
    %c0_i32 = arith.constant 0 : i32
    %c0_i32_0 = arith.constant 0 : i32
    return %arg0, %c0_i32 : i32, i32
  }
  func.func @transform_2(%arg0: i32) -> (i32, i32) {
    %c0_i32 = arith.constant 0 : i32
    %c0_i32_0 = arith.constant 0 : i32
    return %c0_i32, %arg0 : i32, i32
  }
}

module attributes {stable_mosaic.version = 14 : i64} {
  func.func @_mlp0_body(%arg0: i32, %arg1: memref<512x1024xf32, #tpu.memory_space<vmem>>, %arg2: memref<1024x4096xf32, #tpu.memory_space<vmem>>, %arg3: memref<4096x1024xf32, #tpu.memory_space<vmem>>, %arg4: memref<1x1024xf32, #tpu.memory_space<vmem>>, %arg5: memref<1x1024xf32, #tpu.memory_space<vmem>>, %arg6: memref<512x1024xf32, #tpu.memory_space<vmem>>, %arg7: memref<512x1xi32, #tpu.memory_space<vmem>>) attributes {dimension_semantics = [#tpu.dimension_semantics<arbitrary>], iteration_bounds = array<i64: 8>, scalar_prefetch = 0 : i64, scratch_operands = 0 : i64, tpu.core_type = #tpu.core_type<tc>, window_params = [{transform_indices = @transform_0, window_bounds = array<i64: 512, 1024>}, {pipeline_mode = #tpu.pipeline_mode<synchronous>, transform_indices = @transform_1, window_bounds = array<i64: 1024, 4096>}, {pipeline_mode = #tpu.pipeline_mode<synchronous>, transform_indices = @transform_2, window_bounds = array<i64: 4096, 1024>}, {pipeline_mode = #tpu.pipeline_mode<synchronous>, transform_indices = @transform_3, window_bounds = array<i64: 1, 1024>}, {pipeline_mode = #tpu.pipeline_mode<synchronous>, transform_indices = @transform_4, window_bounds = array<i64: 1, 1024>}, {transform_indices = @transform_5, window_bounds = array<i64: 512, 1024>}, {transform_indices = @transform_6, window_bounds = array<i64: 512, 1>}]} {
    %get3A = arith.constant 0 : index
    %get3A_0 = arith.constant 0 : index
    %get3A_1 = vector.load %arg1[%get3A, %get3A_0] : memref<512x1024xf32, #tpu.memory_space<vmem>>, vector<512x1024xf32>
    %reduce_sum3A = arith.constant dense<0.000000e+00> : vector<512xf32>
    %reduce_sum3A_2 = vector.multi_reduction <add>, %get3A_1, %reduce_sum3A [1] : vector<512x1024xf32> to vector<512xf32>
    %broadcast_in_dim3A = vector.shape_cast %reduce_sum3A_2 : vector<512xf32> to vector<512x1xf32>
    %div3A = arith.constant 1.024000e+03 : f32
    %div3A_3 = vector.broadcast %div3A : f32 to vector<512x1xf32>
    %div3A_4 = arith.divf %broadcast_in_dim3A, %div3A_3 : vector<512x1xf32>
    %sub3A = vector.broadcast %div3A_4 : vector<512x1xf32> to vector<512x1024xf32>
    %sub3A_5 = arith.subf %get3A_1, %sub3A : vector<512x1024xf32>
    %integer_pow3A = arith.mulf %sub3A_5, %sub3A_5 : vector<512x1024xf32>
    %reduce_sum3A_6 = arith.constant dense<0.000000e+00> : vector<512xf32>
    %reduce_sum3A_7 = vector.multi_reduction <add>, %integer_pow3A, %reduce_sum3A_6 [1] : vector<512x1024xf32> to vector<512xf32>
    %broadcast_in_dim3A_8 = vector.shape_cast %reduce_sum3A_7 : vector<512xf32> to vector<512x1xf32>
    %div3A_9 = arith.constant 1.024000e+03 : f32
    %div3A_10 = vector.broadcast %div3A_9 : f32 to vector<512x1xf32>
    %div3A_11 = arith.divf %broadcast_in_dim3A_8, %div3A_10 : vector<512x1xf32>
    %sub3A_12 = vector.broadcast %div3A_4 : vector<512x1xf32> to vector<512x1024xf32>
    %sub3A_13 = arith.subf %get3A_1, %sub3A_12 : vector<512x1024xf32>
    %add3A = arith.constant 9.99999974E-6 : f32
    %add3A_14 = vector.broadcast %add3A : f32 to vector<512x1xf32>
    %add3A_15 = arith.addf %div3A_11, %add3A_14 : vector<512x1xf32>
    %sqrt3A = math.sqrt %add3A_15 : vector<512x1xf32>
    %div3A_16 = vector.broadcast %sqrt3A : vector<512x1xf32> to vector<512x1024xf32>
    %div3A_17 = arith.divf %sub3A_13, %div3A_16 : vector<512x1024xf32>
    %get3A_18 = arith.constant 0 : index
    %get3A_19 = arith.constant 0 : index
    %get3A_20 = vector.load %arg4[%get3A_18, %get3A_19] : memref<1x1024xf32, #tpu.memory_space<vmem>>, vector<1x1024xf32>
    %mul3A = vector.broadcast %get3A_20 : vector<1x1024xf32> to vector<512x1024xf32>
    %mul3A_21 = arith.mulf %div3A_17, %mul3A : vector<512x1024xf32>
    %get3A_22 = arith.constant 0 : index
    %get3A_23 = arith.constant 0 : index
    %get3A_24 = vector.load %arg5[%get3A_22, %get3A_23] : memref<1x1024xf32, #tpu.memory_space<vmem>>, vector<1x1024xf32>
    %add3A_25 = vector.broadcast %get3A_24 : vector<1x1024xf32> to vector<512x1024xf32>
    %add3A_26 = arith.addf %mul3A_21, %add3A_25 : vector<512x1024xf32>
    %get3A_27 = arith.constant 0 : index
    %get3A_28 = arith.constant 0 : index
    %get3A_29 = vector.load %arg2[%get3A_27, %get3A_28] : memref<1024x4096xf32, #tpu.memory_space<vmem>>, vector<1024x4096xf32>
    %dot_general3A = arith.constant dense<0.000000e+00> : vector<512x4096xf32>
    %dot_general3A_30 = tpu.matmul %add3A_26, %get3A_29, %dot_general3A {dimension_numbers = #tpu.dot_dimension_numbers<[1], [0], [0], [1], [0, 0, 1, 1], [], []>, transpose_lhs_hint = false} : vector<512x1024xf32>, vector<1024x4096xf32>, vector<512x4096xf32> -> vector<512x4096xf32>
    %integer_pow3A_31 = arith.mulf %dot_general3A_30, %dot_general3A_30 : vector<512x4096xf32>
    %integer_pow3A_32 = arith.mulf %dot_general3A_30, %integer_pow3A_31 : vector<512x4096xf32>
    %mul3A_33 = arith.constant 4.471500e-02 : f32
    %mul3A_34 = vector.broadcast %mul3A_33 : f32 to vector<512x4096xf32>
    %mul3A_35 = arith.mulf %mul3A_34, %integer_pow3A_32 : vector<512x4096xf32>
    %add3A_36 = arith.addf %dot_general3A_30, %mul3A_35 : vector<512x4096xf32>
    %mul3A_37 = arith.constant 0.797884583 : f32
    %mul3A_38 = vector.broadcast %mul3A_37 : f32 to vector<512x4096xf32>
    %mul3A_39 = arith.mulf %mul3A_38, %add3A_36 : vector<512x4096xf32>
    %tanh3A = math.tanh %mul3A_39 : vector<512x4096xf32>
    %add3A_40 = arith.constant 1.000000e+00 : f32
    %add3A_41 = vector.broadcast %add3A_40 : f32 to vector<512x4096xf32>
    %add3A_42 = arith.addf %add3A_41, %tanh3A : vector<512x4096xf32>
    %mul3A_43 = arith.constant 5.000000e-01 : f32
    %mul3A_44 = vector.broadcast %mul3A_43 : f32 to vector<512x4096xf32>
    %mul3A_45 = arith.mulf %mul3A_44, %add3A_42 : vector<512x4096xf32>
    %mul3A_46 = arith.mulf %dot_general3A_30, %mul3A_45 : vector<512x4096xf32>
    %get3A_47 = arith.constant 0 : index
    %get3A_48 = arith.constant 0 : index
    %get3A_49 = vector.load %arg3[%get3A_47, %get3A_48] : memref<4096x1024xf32, #tpu.memory_space<vmem>>, vector<4096x1024xf32>
    %dot_general3A_50 = arith.constant dense<0.000000e+00> : vector<512x1024xf32>
    %dot_general3A_51 = tpu.matmul %mul3A_46, %get3A_49, %dot_general3A_50 {dimension_numbers = #tpu.dot_dimension_numbers<[1], [0], [0], [1], [0, 0, 1, 1], [], []>, transpose_lhs_hint = false} : vector<512x4096xf32>, vector<4096x1024xf32>, vector<512x1024xf32> -> vector<512x1024xf32>
    %add3A_52 = arith.addf %get3A_1, %dot_general3A_51 : vector<512x1024xf32>
    %swap3A = arith.constant 0 : index
    %swap3A_53 = arith.constant 0 : index
    %swap3A_54 = vector.load %arg6[%swap3A, %swap3A_53] : memref<512x1024xf32, #tpu.memory_space<vmem>>, vector<512x1024xf32>
    tpu.vector_store %arg6[%swap3A, %swap3A_53], %add3A_52 {strides = array<i32>} : memref<512x1024xf32, #tpu.memory_space<vmem>>, vector<512x1024xf32>,
    %mul3A_55 = arith.mulf %get3A_1, %add3A_52 : vector<512x1024xf32>
    %reduce_sum3A_56 = arith.constant dense<0.000000e+00> : vector<512xf32>
    %reduce_sum3A_57 = vector.multi_reduction <add>, %mul3A_55, %reduce_sum3A_56 [1] : vector<512x1024xf32> to vector<512xf32>
    %broadcast_in_dim3A_58 = vector.shape_cast %reduce_sum3A_57 : vector<512xf32> to vector<512x1xf32>
    %mul3A_59 = arith.mulf %get3A_1, %get3A_1 : vector<512x1024xf32>
    %reduce_sum3A_60 = arith.constant dense<0.000000e+00> : vector<512xf32>
    %reduce_sum3A_61 = vector.multi_reduction <add>, %mul3A_59, %reduce_sum3A_60 [1] : vector<512x1024xf32> to vector<512xf32>
    %broadcast_in_dim3A_62 = vector.shape_cast %reduce_sum3A_61 : vector<512xf32> to vector<512x1xf32>
    %sqrt3A_63 = math.sqrt %broadcast_in_dim3A_62 : vector<512x1xf32>
    %mul3A_64 = arith.mulf %add3A_52, %add3A_52 : vector<512x1024xf32>
    %reduce_sum3A_65 = arith.constant dense<0.000000e+00> : vector<512xf32>
    %reduce_sum3A_66 = vector.multi_reduction <add>, %mul3A_64, %reduce_sum3A_65 [1] : vector<512x1024xf32> to vector<512xf32>
    %broadcast_in_dim3A_67 = vector.shape_cast %reduce_sum3A_66 : vector<512xf32> to vector<512x1xf32>
    %sqrt3A_68 = math.sqrt %broadcast_in_dim3A_67 : vector<512x1xf32>
    %mul3A_69 = arith.mulf %sqrt3A_63, %sqrt3A_68 : vector<512x1xf32>
    %add3A_70 = arith.constant 9.99999993E-9 : f32
    %add3A_71 = vector.broadcast %add3A_70 : f32 to vector<512x1xf32>
    %add3A_72 = arith.addf %mul3A_69, %add3A_71 : vector<512x1xf32>
    %div3A_73 = arith.divf %broadcast_in_dim3A_58, %add3A_72 : vector<512x1xf32>
    %lt3A = arith.constant 8.000000e-01 : f32
    %lt3A_74 = vector.broadcast %lt3A : f32 to vector<512x1xf32>
    %lt3A_75 = arith.cmpf olt, %div3A_73, %lt3A_74 : vector<512x1xf32>
    %convert_element_type3A = arith.extui %lt3A_75 : vector<512x1xi1> to vector<512x1xi32>
    %swap3A_76 = arith.constant 0 : index
    %swap3A_77 = arith.constant 0 : index
    %swap3A_78 = vector.load %arg7[%swap3A_76, %swap3A_77] : memref<512x1xi32, #tpu.memory_space<vmem>>, vector<512x1xi32>
    tpu.vector_store %arg7[%swap3A_76, %swap3A_77], %convert_element_type3A {strides = array<i32>} : memref<512x1xi32, #tpu.memory_space<vmem>>, vector<512x1xi32>,
    return
  }
  func.func @transform_0(%arg0: i32) -> (i32, i32) {
    %c0_i32 = arith.constant 0 : i32
    %c0_i32_0 = arith.constant 0 : i32
    return %arg0, %c0_i32 : i32, i32
  }
  func.func @transform_1(%arg0: i32) -> (i32, i32) {
    %c0_i32 = arith.constant 0 : i32
    %c0_i32_0 = arith.constant 0 : i32
    %c0_i32_1 = arith.constant 0 : i32
    return %c0_i32, %c0_i32_0 : i32, i32
  }
  func.func @transform_2(%arg0: i32) -> (i32, i32) {
    %c0_i32 = arith.constant 0 : i32
    %c0_i32_0 = arith.constant 0 : i32
    %c0_i32_1 = arith.constant 0 : i32
    return %c0_i32, %c0_i32_0 : i32, i32
  }
  func.func @transform_3(%arg0: i32) -> (i32, i32) {
    %c0_i32 = arith.constant 0 : i32
    %c0_i32_0 = arith.constant 0 : i32
    %c0_i32_1 = arith.constant 0 : i32
    return %c0_i32, %c0_i32_0 : i32, i32
  }
  func.func @transform_4(%arg0: i32) -> (i32, i32) {
    %c0_i32 = arith.constant 0 : i32
    %c0_i32_0 = arith.constant 0 : i32
    %c0_i32_1 = arith.constant 0 : i32
    return %c0_i32, %c0_i32_0 : i32, i32
  }
  func.func @transform_5(%arg0: i32) -> (i32, i32) {
    %c0_i32 = arith.constant 0 : i32
    %c0_i32_0 = arith.constant 0 : i32
    return %arg0, %c0_i32 : i32, i32
  }
  func.func @transform_6(%arg0: i32) -> (i32, i32) {
    %c0_i32 = arith.constant 0 : i32
    %c0_i32_0 = arith.constant 0 : i32
    return %arg0, %c0_i32 : i32, i32
  }
}

module attributes {stable_mosaic.version = 14 : i64} {
  func.func @_mlp1_body(%arg0: memref<4096x8192xf32, #tpu.memory_space<any>>, %arg1: memref<4096x1024xf32, #tpu.memory_space<any>>, %arg2: memref<1024x4096xf32, #tpu.memory_space<any>>, %arg3: memref<4096x1024xf32, #tpu.memory_space<any>>, %arg4: memref<8192x1024xf32, #tpu.memory_space<any>>, %arg5: memref<1x1024xf32, #tpu.memory_space<vmem>>, %arg6: memref<1x1024xf32, #tpu.memory_space<vmem>>, %arg7: memref<16xi32, #tpu.memory_space<smem>>, %arg8: memref<4112xi32, #tpu.memory_space<smem>>, %arg9: memref<4096x8192xf32, #tpu.memory_space<any>>, %arg10: memref<1024x4096xf32, #tpu.memory_space<vmem>>, %arg11: memref<4096x1024xf32, #tpu.memory_space<vmem>>, %arg12: memref<8192x1024xbf16, #tpu.memory_space<vmem>>, %arg13: memref<1024x1024xf32, #tpu.memory_space<vmem>>, %arg14: memref<128x1024xf32, #tpu.memory_space<vmem>>, %arg15: memref<128x8192xf32, #tpu.memory_space<vmem>>, %arg16: memref<!tpu.dma_semaphore, #tpu.memory_space<semaphore_mem>>, %arg17: memref<!tpu.dma_semaphore, #tpu.memory_space<semaphore_mem>>, %arg18: memref<!tpu.dma_semaphore, #tpu.memory_space<semaphore_mem>>) attributes {dimension_semantics = [], scalar_prefetch = 0 : i64, scratch_operands = 9 : i64, tpu.core_type = #tpu.core_type<tc>} {
    %get3A = arith.constant 0 : index
    %get3A_0 = memref.load %arg7[%get3A] : memref<16xi32, #tpu.memory_space<smem>>
    %add3A = arith.constant 128 : i32
    %add3A_1 = arith.addi %get3A_0, %add3A : i32
    %sub3A = arith.constant 1 : i32
    %sub3A_2 = arith.subi %add3A_1, %sub3A : i32
    %jit3A = arith.constant 128 : i32
    %div3A = arith.divsi %sub3A_2, %jit3A : i32
    %sign3A = arith.constant 0 : i32
    %sign3A_3 = arith.cmpi sgt, %sub3A_2, %sign3A : i32
    %sign3A_4 = arith.extui %sign3A_3 : i1 to i32
    %sign3A_5 = arith.constant 0 : i32
    %sign3A_6 = arith.cmpi slt, %sub3A_2, %sign3A_5 : i32
    %sign3A_7 = arith.extui %sign3A_6 : i1 to i32
    %sign3A_8 = arith.subi %sign3A_4, %sign3A_7 : i32
    %sign3A_9 = arith.constant 0 : i32
    %sign3A_10 = arith.cmpi sgt, %jit3A, %sign3A_9 : i32
    %sign3A_11 = arith.extui %sign3A_10 : i1 to i32
    %sign3A_12 = arith.constant 0 : i32
    %sign3A_13 = arith.cmpi slt, %jit3A, %sign3A_12 : i32
    %sign3A_14 = arith.extui %sign3A_13 : i1 to i32
    %sign3A_15 = arith.subi %sign3A_11, %sign3A_14 : i32
    %ne3A = arith.cmpi ne, %sign3A_8, %sign3A_15 : i32
    %rem3A = arith.remsi %sub3A_2, %jit3A : i32
    %ne3A_16 = arith.constant 0 : i32
    %ne3A_17 = arith.cmpi ne, %rem3A, %ne3A_16 : i32
    %and3A = arith.andi %ne3A, %ne3A_17 : i1
    %sub3A_18 = arith.constant 1 : i32
    %sub3A_19 = arith.subi %div3A, %sub3A_18 : i32
    %select_n3A = arith.select %and3A, %sub3A_19, %div3A : i32
    %gt3A = arith.constant 0 : i32
    %gt3A_20 = arith.cmpi sgt, %select_n3A, %gt3A : i32
    %convert_element_type3A = arith.extui %gt3A_20 : i1 to i32
    %cond3A = arith.constant 0 : i32
    %cond3A_21 = arith.cmpi ne, %convert_element_type3A, %cond3A : i32
    scf.if %cond3A_21 {
      tpu.enqueue_dma source(%arg2 : memref<1024x4096xf32, #tpu.memory_space<any>>) target(%arg10 : memref<1024x4096xf32, #tpu.memory_space<vmem>>) target_semaphore(%arg16 : memref<!tpu.dma_semaphore, #tpu.memory_space<semaphore_mem>>)
      tpu.enqueue_dma source(%arg3 : memref<4096x1024xf32, #tpu.memory_space<any>>) target(%arg11 : memref<4096x1024xf32, #tpu.memory_space<vmem>>) target_semaphore(%arg16 : memref<!tpu.dma_semaphore, #tpu.memory_space<semaphore_mem>>)
      tpu.wait_dma2 semaphore(%arg16 : memref<!tpu.dma_semaphore, #tpu.memory_space<semaphore_mem>>) src(%arg2 : memref<1024x4096xf32, #tpu.memory_space<any>>) dst(%arg10 : memref<1024x4096xf32, #tpu.memory_space<vmem>>)
      tpu.wait_dma2 semaphore(%arg16 : memref<!tpu.dma_semaphore, #tpu.memory_space<semaphore_mem>>) src(%arg3 : memref<4096x1024xf32, #tpu.memory_space<any>>) dst(%arg11 : memref<4096x1024xf32, #tpu.memory_space<vmem>>)
      %dma_start3A = arith.constant 0 : i32
      %dma_start3A_22 = arith.constant 0 : i32
      %dma_start3A_23 = tpu.memref_slice %arg4[%dma_start3A, %dma_start3A_22] : memref<8192x1024xf32, #tpu.memory_space<any>> -> memref<1024x1024xf32, #tpu.memory_space<any>>
      tpu.enqueue_dma source(%dma_start3A_23 : memref<1024x1024xf32, #tpu.memory_space<any>>) target(%arg13 : memref<1024x1024xf32, #tpu.memory_space<vmem>>) target_semaphore(%arg16 : memref<!tpu.dma_semaphore, #tpu.memory_space<semaphore_mem>>)
      %dma_wait3A = arith.constant 0 : i32
      %dma_wait3A_24 = arith.constant 0 : i32
      %dma_wait3A_25 = tpu.memref_slice %arg4[%dma_wait3A, %dma_wait3A_24] : memref<8192x1024xf32, #tpu.memory_space<any>> -> memref<1024x1024xf32, #tpu.memory_space<any>>
      tpu.wait_dma2 semaphore(%arg16 : memref<!tpu.dma_semaphore, #tpu.memory_space<semaphore_mem>>) src(%dma_wait3A_25 : memref<1024x1024xf32, #tpu.memory_space<any>>) dst(%arg13 : memref<1024x1024xf32, #tpu.memory_space<vmem>>)
      %get3A_26 = arith.constant 0 : index
      %get3A_27 = arith.constant 0 : index
      %get3A_28 = vector.load %arg13[%get3A_26, %get3A_27] : memref<1024x1024xf32, #tpu.memory_space<vmem>>, vector<1024x1024xf32>
      %convert_element_type3A_29 = arith.truncf %get3A_28 : vector<1024x1024xf32> to vector<1024x1024xbf16>
      %swap3A = arith.constant 0 : index
      %swap3A_30 = arith.constant 0 : index
      %swap3A_31 = vector.load %arg12[%swap3A, %swap3A_30] : memref<8192x1024xbf16, #tpu.memory_space<vmem>>, vector<1024x1024xbf16>
      tpu.vector_store %arg12[%swap3A, %swap3A_30], %convert_element_type3A_29 {strides = array<i32>} : memref<8192x1024xbf16, #tpu.memory_space<vmem>>, vector<1024x1024xbf16>,
      %dma_start3A_32 = arith.constant 1024 : i32
      %dma_start3A_33 = arith.constant 0 : i32
      %dma_start3A_34 = tpu.memref_slice %arg4[%dma_start3A_32, %dma_start3A_33] : memref<8192x1024xf32, #tpu.memory_space<any>> -> memref<1024x1024xf32, #tpu.memory_space<any>>
      tpu.enqueue_dma source(%dma_start3A_34 : memref<1024x1024xf32, #tpu.memory_space<any>>) target(%arg13 : memref<1024x1024xf32, #tpu.memory_space<vmem>>) target_semaphore(%arg16 : memref<!tpu.dma_semaphore, #tpu.memory_space<semaphore_mem>>)
      %dma_wait3A_35 = arith.constant 1024 : i32
      %dma_wait3A_36 = arith.constant 0 : i32
      %dma_wait3A_37 = tpu.memref_slice %arg4[%dma_wait3A_35, %dma_wait3A_36] : memref<8192x1024xf32, #tpu.memory_space<any>> -> memref<1024x1024xf32, #tpu.memory_space<any>>
      tpu.wait_dma2 semaphore(%arg16 : memref<!tpu.dma_semaphore, #tpu.memory_space<semaphore_mem>>) src(%dma_wait3A_37 : memref<1024x1024xf32, #tpu.memory_space<any>>) dst(%arg13 : memref<1024x1024xf32, #tpu.memory_space<vmem>>)
      %get3A_38 = arith.constant 0 : index
      %get3A_39 = arith.constant 0 : index
      %get3A_40 = vector.load %arg13[%get3A_38, %get3A_39] : memref<1024x1024xf32, #tpu.memory_space<vmem>>, vector<1024x1024xf32>
      %convert_element_type3A_41 = arith.truncf %get3A_40 : vector<1024x1024xf32> to vector<1024x1024xbf16>
      %swap3A_42 = arith.constant 1024 : index
      %swap3A_43 = arith.constant 0 : index
      %swap3A_44 = vector.load %arg12[%swap3A_42, %swap3A_43] : memref<8192x1024xbf16, #tpu.memory_space<vmem>>, vector<1024x1024xbf16>
      tpu.vector_store %arg12[%swap3A_42, %swap3A_43], %convert_element_type3A_41 {strides = array<i32>} : memref<8192x1024xbf16, #tpu.memory_space<vmem>>, vector<1024x1024xbf16>,
      %dma_start3A_45 = arith.constant 2048 : i32
      %dma_start3A_46 = arith.constant 0 : i32
      %dma_start3A_47 = tpu.memref_slice %arg4[%dma_start3A_45, %dma_start3A_46] : memref<8192x1024xf32, #tpu.memory_space<any>> -> memref<1024x1024xf32, #tpu.memory_space<any>>
      tpu.enqueue_dma source(%dma_start3A_47 : memref<1024x1024xf32, #tpu.memory_space<any>>) target(%arg13 : memref<1024x1024xf32, #tpu.memory_space<vmem>>) target_semaphore(%arg16 : memref<!tpu.dma_semaphore, #tpu.memory_space<semaphore_mem>>)
      %dma_wait3A_48 = arith.constant 2048 : i32
      %dma_wait3A_49 = arith.constant 0 : i32
      %dma_wait3A_50 = tpu.memref_slice %arg4[%dma_wait3A_48, %dma_wait3A_49] : memref<8192x1024xf32, #tpu.memory_space<any>> -> memref<1024x1024xf32, #tpu.memory_space<any>>
      tpu.wait_dma2 semaphore(%arg16 : memref<!tpu.dma_semaphore, #tpu.memory_space<semaphore_mem>>) src(%dma_wait3A_50 : memref<1024x1024xf32, #tpu.memory_space<any>>) dst(%arg13 : memref<1024x1024xf32, #tpu.memory_space<vmem>>)
      %get3A_51 = arith.constant 0 : index
      %get3A_52 = arith.constant 0 : index
      %get3A_53 = vector.load %arg13[%get3A_51, %get3A_52] : memref<1024x1024xf32, #tpu.memory_space<vmem>>, vector<1024x1024xf32>
      %convert_element_type3A_54 = arith.truncf %get3A_53 : vector<1024x1024xf32> to vector<1024x1024xbf16>
      %swap3A_55 = arith.constant 2048 : index
      %swap3A_56 = arith.constant 0 : index
      %swap3A_57 = vector.load %arg12[%swap3A_55, %swap3A_56] : memref<8192x1024xbf16, #tpu.memory_space<vmem>>, vector<1024x1024xbf16>
      tpu.vector_store %arg12[%swap3A_55, %swap3A_56], %convert_element_type3A_54 {strides = array<i32>} : memref<8192x1024xbf16, #tpu.memory_space<vmem>>, vector<1024x1024xbf16>,
      %dma_start3A_58 = arith.constant 3072 : i32
      %dma_start3A_59 = arith.constant 0 : i32
      %dma_start3A_60 = tpu.memref_slice %arg4[%dma_start3A_58, %dma_start3A_59] : memref<8192x1024xf32, #tpu.memory_space<any>> -> memref<1024x1024xf32, #tpu.memory_space<any>>
      tpu.enqueue_dma source(%dma_start3A_60 : memref<1024x1024xf32, #tpu.memory_space<any>>) target(%arg13 : memref<1024x1024xf32, #tpu.memory_space<vmem>>) target_semaphore(%arg16 : memref<!tpu.dma_semaphore, #tpu.memory_space<semaphore_mem>>)
      %dma_wait3A_61 = arith.constant 3072 : i32
      %dma_wait3A_62 = arith.constant 0 : i32
      %dma_wait3A_63 = tpu.memref_slice %arg4[%dma_wait3A_61, %dma_wait3A_62] : memref<8192x1024xf32, #tpu.memory_space<any>> -> memref<1024x1024xf32, #tpu.memory_space<any>>
      tpu.wait_dma2 semaphore(%arg16 : memref<!tpu.dma_semaphore, #tpu.memory_space<semaphore_mem>>) src(%dma_wait3A_63 : memref<1024x1024xf32, #tpu.memory_space<any>>) dst(%arg13 : memref<1024x1024xf32, #tpu.memory_space<vmem>>)
      %get3A_64 = arith.constant 0 : index
      %get3A_65 = arith.constant 0 : index
      %get3A_66 = vector.load %arg13[%get3A_64, %get3A_65] : memref<1024x1024xf32, #tpu.memory_space<vmem>>, vector<1024x1024xf32>
      %convert_element_type3A_67 = arith.truncf %get3A_66 : vector<1024x1024xf32> to vector<1024x1024xbf16>
      %swap3A_68 = arith.constant 3072 : index
      %swap3A_69 = arith.constant 0 : index
      %swap3A_70 = vector.load %arg12[%swap3A_68, %swap3A_69] : memref<8192x1024xbf16, #tpu.memory_space<vmem>>, vector<1024x1024xbf16>
      tpu.vector_store %arg12[%swap3A_68, %swap3A_69], %convert_element_type3A_67 {strides = array<i32>} : memref<8192x1024xbf16, #tpu.memory_space<vmem>>, vector<1024x1024xbf16>,
      %dma_start3A_71 = arith.constant 4096 : i32
      %dma_start3A_72 = arith.constant 0 : i32
      %dma_start3A_73 = tpu.memref_slice %arg4[%dma_start3A_71, %dma_start3A_72] : memref<8192x1024xf32, #tpu.memory_space<any>> -> memref<1024x1024xf32, #tpu.memory_space<any>>
      tpu.enqueue_dma source(%dma_start3A_73 : memref<1024x1024xf32, #tpu.memory_space<any>>) target(%arg13 : memref<1024x1024xf32, #tpu.memory_space<vmem>>) target_semaphore(%arg16 : memref<!tpu.dma_semaphore, #tpu.memory_space<semaphore_mem>>)
      %dma_wait3A_74 = arith.constant 4096 : i32
      %dma_wait3A_75 = arith.constant 0 : i32
      %dma_wait3A_76 = tpu.memref_slice %arg4[%dma_wait3A_74, %dma_wait3A_75] : memref<8192x1024xf32, #tpu.memory_space<any>> -> memref<1024x1024xf32, #tpu.memory_space<any>>
      tpu.wait_dma2 semaphore(%arg16 : memref<!tpu.dma_semaphore, #tpu.memory_space<semaphore_mem>>) src(%dma_wait3A_76 : memref<1024x1024xf32, #tpu.memory_space<any>>) dst(%arg13 : memref<1024x1024xf32, #tpu.memory_space<vmem>>)
      %get3A_77 = arith.constant 0 : index
      %get3A_78 = arith.constant 0 : index
      %get3A_79 = vector.load %arg13[%get3A_77, %get3A_78] : memref<1024x1024xf32, #tpu.memory_space<vmem>>, vector<1024x1024xf32>
      %convert_element_type3A_80 = arith.truncf %get3A_79 : vector<1024x1024xf32> to vector<1024x1024xbf16>
      %swap3A_81 = arith.constant 4096 : index
      %swap3A_82 = arith.constant 0 : index
      %swap3A_83 = vector.load %arg12[%swap3A_81, %swap3A_82] : memref<8192x1024xbf16, #tpu.memory_space<vmem>>, vector<1024x1024xbf16>
      tpu.vector_store %arg12[%swap3A_81, %swap3A_82], %convert_element_type3A_80 {strides = array<i32>} : memref<8192x1024xbf16, #tpu.memory_space<vmem>>, vector<1024x1024xbf16>,
      %dma_start3A_84 = arith.constant 5120 : i32
      %dma_start3A_85 = arith.constant 0 : i32
      %dma_start3A_86 = tpu.memref_slice %arg4[%dma_start3A_84, %dma_start3A_85] : memref<8192x1024xf32, #tpu.memory_space<any>> -> memref<1024x1024xf32, #tpu.memory_space<any>>
      tpu.enqueue_dma source(%dma_start3A_86 : memref<1024x1024xf32, #tpu.memory_space<any>>) target(%arg13 : memref<1024x1024xf32, #tpu.memory_space<vmem>>) target_semaphore(%arg16 : memref<!tpu.dma_semaphore, #tpu.memory_space<semaphore_mem>>)
      %dma_wait3A_87 = arith.constant 5120 : i32
      %dma_wait3A_88 = arith.constant 0 : i32
      %dma_wait3A_89 = tpu.memref_slice %arg4[%dma_wait3A_87, %dma_wait3A_88] : memref<8192x1024xf32, #tpu.memory_space<any>> -> memref<1024x1024xf32, #tpu.memory_space<any>>
      tpu.wait_dma2 semaphore(%arg16 : memref<!tpu.dma_semaphore, #tpu.memory_space<semaphore_mem>>) src(%dma_wait3A_89 : memref<1024x1024xf32, #tpu.memory_space<any>>) dst(%arg13 : memref<1024x1024xf32, #tpu.memory_space<vmem>>)
      %get3A_90 = arith.constant 0 : index
      %get3A_91 = arith.constant 0 : index
      %get3A_92 = vector.load %arg13[%get3A_90, %get3A_91] : memref<1024x1024xf32, #tpu.memory_space<vmem>>, vector<1024x1024xf32>
      %convert_element_type3A_93 = arith.truncf %get3A_92 : vector<1024x1024xf32> to vector<1024x1024xbf16>
      %swap3A_94 = arith.constant 5120 : index
      %swap3A_95 = arith.constant 0 : index
      %swap3A_96 = vector.load %arg12[%swap3A_94, %swap3A_95] : memref<8192x1024xbf16, #tpu.memory_space<vmem>>, vector<1024x1024xbf16>
      tpu.vector_store %arg12[%swap3A_94, %swap3A_95], %convert_element_type3A_93 {strides = array<i32>} : memref<8192x1024xbf16, #tpu.memory_space<vmem>>, vector<1024x1024xbf16>,
      %dma_start3A_97 = arith.constant 6144 : i32
      %dma_start3A_98 = arith.constant 0 : i32
      %dma_start3A_99 = tpu.memref_slice %arg4[%dma_start3A_97, %dma_start3A_98] : memref<8192x1024xf32, #tpu.memory_space<any>> -> memref<1024x1024xf32, #tpu.memory_space<any>>
      tpu.enqueue_dma source(%dma_start3A_99 : memref<1024x1024xf32, #tpu.memory_space<any>>) target(%arg13 : memref<1024x1024xf32, #tpu.memory_space<vmem>>) target_semaphore(%arg16 : memref<!tpu.dma_semaphore, #tpu.memory_space<semaphore_mem>>)
      %dma_wait3A_100 = arith.constant 6144 : i32
      %dma_wait3A_101 = arith.constant 0 : i32
      %dma_wait3A_102 = tpu.memref_slice %arg4[%dma_wait3A_100, %dma_wait3A_101] : memref<8192x1024xf32, #tpu.memory_space<any>> -> memref<1024x1024xf32, #tpu.memory_space<any>>
      tpu.wait_dma2 semaphore(%arg16 : memref<!tpu.dma_semaphore, #tpu.memory_space<semaphore_mem>>) src(%dma_wait3A_102 : memref<1024x1024xf32, #tpu.memory_space<any>>) dst(%arg13 : memref<1024x1024xf32, #tpu.memory_space<vmem>>)
      %get3A_103 = arith.constant 0 : index
      %get3A_104 = arith.constant 0 : index
      %get3A_105 = vector.load %arg13[%get3A_103, %get3A_104] : memref<1024x1024xf32, #tpu.memory_space<vmem>>, vector<1024x1024xf32>
      %convert_element_type3A_106 = arith.truncf %get3A_105 : vector<1024x1024xf32> to vector<1024x1024xbf16>
      %swap3A_107 = arith.constant 6144 : index
      %swap3A_108 = arith.constant 0 : index
      %swap3A_109 = vector.load %arg12[%swap3A_107, %swap3A_108] : memref<8192x1024xbf16, #tpu.memory_space<vmem>>, vector<1024x1024xbf16>
      tpu.vector_store %arg12[%swap3A_107, %swap3A_108], %convert_element_type3A_106 {strides = array<i32>} : memref<8192x1024xbf16, #tpu.memory_space<vmem>>, vector<1024x1024xbf16>,
      %dma_start3A_110 = arith.constant 7168 : i32
      %dma_start3A_111 = arith.constant 0 : i32
      %dma_start3A_112 = tpu.memref_slice %arg4[%dma_start3A_110, %dma_start3A_111] : memref<8192x1024xf32, #tpu.memory_space<any>> -> memref<1024x1024xf32, #tpu.memory_space<any>>
      tpu.enqueue_dma source(%dma_start3A_112 : memref<1024x1024xf32, #tpu.memory_space<any>>) target(%arg13 : memref<1024x1024xf32, #tpu.memory_space<vmem>>) target_semaphore(%arg16 : memref<!tpu.dma_semaphore, #tpu.memory_space<semaphore_mem>>)
      %dma_wait3A_113 = arith.constant 7168 : i32
      %dma_wait3A_114 = arith.constant 0 : i32
      %dma_wait3A_115 = tpu.memref_slice %arg4[%dma_wait3A_113, %dma_wait3A_114] : memref<8192x1024xf32, #tpu.memory_space<any>> -> memref<1024x1024xf32, #tpu.memory_space<any>>
      tpu.wait_dma2 semaphore(%arg16 : memref<!tpu.dma_semaphore, #tpu.memory_space<semaphore_mem>>) src(%dma_wait3A_115 : memref<1024x1024xf32, #tpu.memory_space<any>>) dst(%arg13 : memref<1024x1024xf32, #tpu.memory_space<vmem>>)
      %get3A_116 = arith.constant 0 : index
      %get3A_117 = arith.constant 0 : index
      %get3A_118 = vector.load %arg13[%get3A_116, %get3A_117] : memref<1024x1024xf32, #tpu.memory_space<vmem>>, vector<1024x1024xf32>
      %convert_element_type3A_119 = arith.truncf %get3A_118 : vector<1024x1024xf32> to vector<1024x1024xbf16>
      %swap3A_120 = arith.constant 7168 : index
      %swap3A_121 = arith.constant 0 : index
      %swap3A_122 = vector.load %arg12[%swap3A_120, %swap3A_121] : memref<8192x1024xbf16, #tpu.memory_space<vmem>>, vector<1024x1024xbf16>
      tpu.vector_store %arg12[%swap3A_120, %swap3A_121], %convert_element_type3A_119 {strides = array<i32>} : memref<8192x1024xbf16, #tpu.memory_space<vmem>>, vector<1024x1024xbf16>,
      %get3A_123 = arith.constant 0 : index
      %get3A_124 = arith.constant 0 : index
      %get3A_125 = vector.load %arg5[%get3A_123, %get3A_124] : memref<1x1024xf32, #tpu.memory_space<vmem>>, vector<1x1024xf32>
      %get3A_126 = arith.constant 0 : index
      %get3A_127 = arith.constant 0 : index
      %get3A_128 = vector.load %arg6[%get3A_126, %get3A_127] : memref<1x1024xf32, #tpu.memory_space<vmem>>, vector<1x1024xf32>
      %while3A = arith.constant 0 : i32
      %while3A_129 = arith.constant 0 : i32
      %while3A_130 = arith.subi %select_n3A, %while3A : i32
      %while3A_131 = arith.addi %while3A, %while3A_130 : i32
      %while3A_132 = arith.constant 1 : i32
      %while3A_133 = arith.divsi %while3A_130, %while3A_132 : i32
      %while3A_134 = arith.muli %while3A_133, %while3A_132 : i32
      %while3A_135 = arith.addi %while3A, %while3A_134 : i32
      %while3A_136 = arith.constant 1 : i32
      %while3A_137 = scf.for %while3A_140 = %while3A to %while3A_135 step %while3A_136 iter_args(%while3A_141 = %while3A_129) -> (i32)  : i32 {
        %mul3A = arith.constant 128 : i32
        %mul3A_142 = arith.muli %while3A_140, %mul3A : i32
        %dma_start3A_143 = arith.constant 0 : i32
        %dma_start3A_144 = tpu.memref_slice %arg1[%mul3A_142, %dma_start3A_143] : memref<4096x1024xf32, #tpu.memory_space<any>> -> memref<128x1024xf32, #tpu.memory_space<any>>
        tpu.enqueue_dma source(%dma_start3A_144 : memref<128x1024xf32, #tpu.memory_space<any>>) target(%arg14 : memref<128x1024xf32, #tpu.memory_space<vmem>>) target_semaphore(%arg17 : memref<!tpu.dma_semaphore, #tpu.memory_space<semaphore_mem>>)
        %dma_wait3A_145 = arith.constant 0 : i32
        %dma_wait3A_146 = tpu.memref_slice %arg1[%mul3A_142, %dma_wait3A_145] : memref<4096x1024xf32, #tpu.memory_space<any>> -> memref<128x1024xf32, #tpu.memory_space<any>>
        tpu.wait_dma2 semaphore(%arg17 : memref<!tpu.dma_semaphore, #tpu.memory_space<semaphore_mem>>) src(%dma_wait3A_146 : memref<128x1024xf32, #tpu.memory_space<any>>) dst(%arg14 : memref<128x1024xf32, #tpu.memory_space<vmem>>)
        %get3A_147 = arith.constant 0 : index
        %get3A_148 = arith.constant 0 : index
        %get3A_149 = vector.load %arg14[%get3A_147, %get3A_148] : memref<128x1024xf32, #tpu.memory_space<vmem>>, vector<128x1024xf32>
        %reduce_sum3A = arith.constant dense<0.000000e+00> : vector<128xf32>
        %reduce_sum3A_150 = vector.multi_reduction <add>, %get3A_149, %reduce_sum3A [1] : vector<128x1024xf32> to vector<128xf32>
        %broadcast_in_dim3A = vector.shape_cast %reduce_sum3A_150 : vector<128xf32> to vector<128x1xf32>
        %div3A_151 = arith.constant 1.024000e+03 : f32
        %div3A_152 = vector.broadcast %div3A_151 : f32 to vector<128x1xf32>
        %div3A_153 = arith.divf %broadcast_in_dim3A, %div3A_152 : vector<128x1xf32>
        %sub3A_154 = vector.broadcast %div3A_153 : vector<128x1xf32> to vector<128x1024xf32>
        %sub3A_155 = arith.subf %get3A_149, %sub3A_154 : vector<128x1024xf32>
        %integer_pow3A = arith.mulf %sub3A_155, %sub3A_155 : vector<128x1024xf32>
        %reduce_sum3A_156 = arith.constant dense<0.000000e+00> : vector<128xf32>
        %reduce_sum3A_157 = vector.multi_reduction <add>, %integer_pow3A, %reduce_sum3A_156 [1] : vector<128x1024xf32> to vector<128xf32>
        %broadcast_in_dim3A_158 = vector.shape_cast %reduce_sum3A_157 : vector<128xf32> to vector<128x1xf32>
        %div3A_159 = arith.constant 1.024000e+03 : f32
        %div3A_160 = vector.broadcast %div3A_159 : f32 to vector<128x1xf32>
        %div3A_161 = arith.divf %broadcast_in_dim3A_158, %div3A_160 : vector<128x1xf32>
        %sub3A_162 = vector.broadcast %div3A_153 : vector<128x1xf32> to vector<128x1024xf32>
        %sub3A_163 = arith.subf %get3A_149, %sub3A_162 : vector<128x1024xf32>
        %add3A_164 = arith.constant 9.99999974E-6 : f32
        %add3A_165 = vector.broadcast %add3A_164 : f32 to vector<128x1xf32>
        %add3A_166 = arith.addf %div3A_161, %add3A_165 : vector<128x1xf32>
        %sqrt3A = math.sqrt %add3A_166 : vector<128x1xf32>
        %div3A_167 = vector.broadcast %sqrt3A : vector<128x1xf32> to vector<128x1024xf32>
        %div3A_168 = arith.divf %sub3A_163, %div3A_167 : vector<128x1024xf32>
        %mul3A_169 = vector.broadcast %get3A_125 : vector<1x1024xf32> to vector<128x1024xf32>
        %mul3A_170 = arith.mulf %div3A_168, %mul3A_169 : vector<128x1024xf32>
        %add3A_171 = vector.broadcast %get3A_128 : vector<1x1024xf32> to vector<128x1024xf32>
        %add3A_172 = arith.addf %mul3A_170, %add3A_171 : vector<128x1024xf32>
        %convert_element_type3A_173 = arith.truncf %add3A_172 : vector<128x1024xf32> to vector<128x1024xbf16>
        %get3A_174 = arith.constant 0 : index
        %get3A_175 = arith.constant 0 : index
        %get3A_176 = vector.load %arg10[%get3A_174, %get3A_175] : memref<1024x4096xf32, #tpu.memory_space<vmem>>, vector<1024x4096xf32>
        %convert_element_type3A_177 = arith.truncf %get3A_176 : vector<1024x4096xf32> to vector<1024x4096xbf16>
        %dot_general3A = arith.constant dense<0.000000e+00> : vector<128x4096xf32>
        %dot_general3A_178 = tpu.matmul %convert_element_type3A_173, %convert_element_type3A_177, %dot_general3A {dimension_numbers = #tpu.dot_dimension_numbers<[1], [0], [0], [1], [0, 0, 1, 1], [], []>, transpose_lhs_hint = false} : vector<128x1024xbf16>, vector<1024x4096xbf16>, vector<128x4096xf32> -> vector<128x4096xf32>
        %integer_pow3A_179 = arith.mulf %dot_general3A_178, %dot_general3A_178 : vector<128x4096xf32>
        %integer_pow3A_180 = arith.mulf %dot_general3A_178, %integer_pow3A_179 : vector<128x4096xf32>
        %mul3A_181 = arith.constant 4.471500e-02 : f32
        %mul3A_182 = vector.broadcast %mul3A_181 : f32 to vector<128x4096xf32>
        %mul3A_183 = arith.mulf %mul3A_182, %integer_pow3A_180 : vector<128x4096xf32>
        %add3A_184 = arith.addf %dot_general3A_178, %mul3A_183 : vector<128x4096xf32>
        %mul3A_185 = arith.constant 0.797884583 : f32
        %mul3A_186 = vector.broadcast %mul3A_185 : f32 to vector<128x4096xf32>
        %mul3A_187 = arith.mulf %mul3A_186, %add3A_184 : vector<128x4096xf32>
        %tanh3A = math.tanh %mul3A_187 : vector<128x4096xf32>
        %add3A_188 = arith.constant 1.000000e+00 : f32
        %add3A_189 = vector.broadcast %add3A_188 : f32 to vector<128x4096xf32>
        %add3A_190 = arith.addf %add3A_189, %tanh3A : vector<128x4096xf32>
        %mul3A_191 = arith.constant 5.000000e-01 : f32
        %mul3A_192 = vector.broadcast %mul3A_191 : f32 to vector<128x4096xf32>
        %mul3A_193 = arith.mulf %mul3A_192, %add3A_190 : vector<128x4096xf32>
        %mul3A_194 = arith.mulf %dot_general3A_178, %mul3A_193 : vector<128x4096xf32>
        %convert_element_type3A_195 = arith.truncf %mul3A_194 : vector<128x4096xf32> to vector<128x4096xbf16>
        %get3A_196 = arith.constant 0 : index
        %get3A_197 = arith.constant 0 : index
        %get3A_198 = vector.load %arg11[%get3A_196, %get3A_197] : memref<4096x1024xf32, #tpu.memory_space<vmem>>, vector<4096x1024xf32>
        %convert_element_type3A_199 = arith.truncf %get3A_198 : vector<4096x1024xf32> to vector<4096x1024xbf16>
        %dot_general3A_200 = arith.constant dense<0.000000e+00> : vector<128x1024xf32>
        %dot_general3A_201 = tpu.matmul %convert_element_type3A_195, %convert_element_type3A_199, %dot_general3A_200 {dimension_numbers = #tpu.dot_dimension_numbers<[1], [0], [0], [1], [0, 0, 1, 1], [], []>, transpose_lhs_hint = false} : vector<128x4096xbf16>, vector<4096x1024xbf16>, vector<128x1024xf32> -> vector<128x1024xf32>
        %add3A_202 = arith.addf %get3A_149, %dot_general3A_201 : vector<128x1024xf32>
        %convert_element_type3A_203 = arith.truncf %add3A_202 : vector<128x1024xf32> to vector<128x1024xbf16>
        %get3A_204 = arith.constant 0 : index
        %get3A_205 = arith.constant 0 : index
        %get3A_206 = vector.load %arg12[%get3A_204, %get3A_205] : memref<8192x1024xbf16, #tpu.memory_space<vmem>>, vector<8192x1024xbf16>
        %dot_general3A_207 = arith.constant dense<0.000000e+00> : vector<128x8192xf32>
        %dot_general3A_208 = tpu.matmul %convert_element_type3A_203, %get3A_206, %dot_general3A_207 {dimension_numbers = #tpu.dot_dimension_numbers<[1], [1], [0], [0], [0, 0, 1, 0], [], []>, transpose_lhs_hint = false} : vector<128x1024xbf16>, vector<8192x1024xbf16>, vector<128x8192xf32> -> vector<128x8192xf32>
        %swap3A_209 = arith.constant 0 : index
        %swap3A_210 = arith.constant 0 : index
        %swap3A_211 = vector.load %arg15[%swap3A_209, %swap3A_210] : memref<128x8192xf32, #tpu.memory_space<vmem>>, vector<128x8192xf32>
        tpu.vector_store %arg15[%swap3A_209, %swap3A_210], %dot_general3A_208 {strides = array<i32>} : memref<128x8192xf32, #tpu.memory_space<vmem>>, vector<128x8192xf32>,
        %sub3A_212 = arith.subi %get3A_0, %mul3A_142 : i32
        %min3A = arith.constant 128 : i32
        %min3A_213 = arith.minsi %sub3A_212, %min3A : i32
        %while3A_214 = arith.constant 0 : i32
        %while3A_215 = arith.constant 0 : i32
        %while3A_216 = arith.subi %min3A_213, %while3A_214 : i32
        %while3A_217 = arith.addi %while3A_214, %while3A_216 : i32
        %while3A_218 = arith.constant 1 : i32
        %while3A_219 = arith.divsi %while3A_216, %while3A_218 : i32
        %while3A_220 = arith.muli %while3A_219, %while3A_218 : i32
        %while3A_221 = arith.addi %while3A_214, %while3A_220 : i32
        %while3A_222 = arith.constant 1 : i32
        %while3A_223 = scf.for %while3A_227 = %while3A_214 to %while3A_221 step %while3A_222 iter_args(%while3A_228 = %while3A_215) -> (i32)  : i32 {
          %add3A_229 = arith.addi %mul3A_142, %while3A_227 : i32
          %get3A_230 = arith.index_cast %add3A_229 : i32 to index
          %get3A_231 = memref.load %arg8[%get3A_230] : memref<4112xi32, #tpu.memory_space<smem>>
          %dma_start3A_232 = arith.constant 0 : i32
          %dma_start3A_233 = tpu.memref_slice %arg9[%get3A_231, %dma_start3A_232] : memref<4096x8192xf32, #tpu.memory_space<any>> -> memref<1x8192xf32, #tpu.memory_space<any>>
          %dma_start3A_234 = arith.constant 0 : i32
          %dma_start3A_235 = tpu.memref_slice %arg15[%while3A_227, %dma_start3A_234] : memref<128x8192xf32, #tpu.memory_space<vmem>> -> memref<1x8192xf32, #tpu.memory_space<vmem>>
          tpu.enqueue_dma source(%dma_start3A_235 : memref<1x8192xf32, #tpu.memory_space<vmem>>) target(%dma_start3A_233 : memref<1x8192xf32, #tpu.memory_space<any>>) target_semaphore(%arg18 : memref<!tpu.dma_semaphore, #tpu.memory_space<semaphore_mem>>)
          %dma_wait3A_236 = arith.constant 0 : i32
          %dma_wait3A_237 = tpu.memref_slice %arg9[%get3A_231, %dma_wait3A_236] : memref<4096x8192xf32, #tpu.memory_space<any>> -> memref<1x8192xf32, #tpu.memory_space<any>>
          %dma_wait3A_238 = arith.constant 0 : i32
          %dma_wait3A_239 = tpu.memref_slice %arg15[%while3A_227, %dma_wait3A_238] : memref<128x8192xf32, #tpu.memory_space<vmem>> -> memref<1x8192xf32, #tpu.memory_space<vmem>>
          tpu.wait_dma2 semaphore(%arg18 : memref<!tpu.dma_semaphore, #tpu.memory_space<semaphore_mem>>) src(%dma_wait3A_239 : memref<1x8192xf32, #tpu.memory_space<vmem>>) dst(%dma_wait3A_237 : memref<1x8192xf32, #tpu.memory_space<any>>)
          %while3A_240 = arith.constant 0 : i32
          scf.yield %while3A_240 : i32
        }
        %while3A_224 = arith.constant 1 : i32
        %while3A_225 = scf.for %while3A_227 = %while3A_221 to %while3A_217 step %while3A_224 iter_args(%while3A_228 = %while3A_223) -> (i32)  : i32 {
          %add3A_229 = arith.addi %mul3A_142, %while3A_227 : i32
          %get3A_230 = arith.index_cast %add3A_229 : i32 to index
          %get3A_231 = memref.load %arg8[%get3A_230] : memref<4112xi32, #tpu.memory_space<smem>>
          %dma_start3A_232 = arith.constant 0 : i32
          %dma_start3A_233 = tpu.memref_slice %arg9[%get3A_231, %dma_start3A_232] : memref<4096x8192xf32, #tpu.memory_space<any>> -> memref<1x8192xf32, #tpu.memory_space<any>>
          %dma_start3A_234 = arith.constant 0 : i32
          %dma_start3A_235 = tpu.memref_slice %arg15[%while3A_227, %dma_start3A_234] : memref<128x8192xf32, #tpu.memory_space<vmem>> -> memref<1x8192xf32, #tpu.memory_space<vmem>>
          tpu.enqueue_dma source(%dma_start3A_235 : memref<1x8192xf32, #tpu.memory_space<vmem>>) target(%dma_start3A_233 : memref<1x8192xf32, #tpu.memory_space<any>>) target_semaphore(%arg18 : memref<!tpu.dma_semaphore, #tpu.memory_space<semaphore_mem>>)
          %dma_wait3A_236 = arith.constant 0 : i32
          %dma_wait3A_237 = tpu.memref_slice %arg9[%get3A_231, %dma_wait3A_236] : memref<4096x8192xf32, #tpu.memory_space<any>> -> memref<1x8192xf32, #tpu.memory_space<any>>
          %dma_wait3A_238 = arith.constant 0 : i32
          %dma_wait3A_239 = tpu.memref_slice %arg15[%while3A_227, %dma_wait3A_238] : memref<128x8192xf32, #tpu.memory_space<vmem>> -> memref<1x8192xf32, #tpu.memory_space<vmem>>
          tpu.wait_dma2 semaphore(%arg18 : memref<!tpu.dma_semaphore, #tpu.memory_space<semaphore_mem>>) src(%dma_wait3A_239 : memref<1x8192xf32, #tpu.memory_space<vmem>>) dst(%dma_wait3A_237 : memref<1x8192xf32, #tpu.memory_space<any>>)
          %while3A_240 = arith.constant 0 : i32
          scf.yield %while3A_240 : i32
        }
        %while3A_226 = arith.constant 0 : i32
        scf.yield %while3A_226 : i32
      }
      %while3A_138 = arith.constant 1 : i32
      %while3A_139 = scf.for %while3A_140 = %while3A_135 to %while3A_131 step %while3A_138 iter_args(%while3A_141 = %while3A_137) -> (i32)  : i32 {
        %mul3A = arith.constant 128 : i32
        %mul3A_142 = arith.muli %while3A_140, %mul3A : i32
        %dma_start3A_143 = arith.constant 0 : i32
        %dma_start3A_144 = tpu.memref_slice %arg1[%mul3A_142, %dma_start3A_143] : memref<4096x1024xf32, #tpu.memory_space<any>> -> memref<128x1024xf32, #tpu.memory_space<any>>
        tpu.enqueue_dma source(%dma_start3A_144 : memref<128x1024xf32, #tpu.memory_space<any>>) target(%arg14 : memref<128x1024xf32, #tpu.memory_space<vmem>>) target_semaphore(%arg17 : memref<!tpu.dma_semaphore, #tpu.memory_space<semaphore_mem>>)
        %dma_wait3A_145 = arith.constant 0 : i32
        %dma_wait3A_146 = tpu.memref_slice %arg1[%mul3A_142, %dma_wait3A_145] : memref<4096x1024xf32, #tpu.memory_space<any>> -> memref<128x1024xf32, #tpu.memory_space<any>>
        tpu.wait_dma2 semaphore(%arg17 : memref<!tpu.dma_semaphore, #tpu.memory_space<semaphore_mem>>) src(%dma_wait3A_146 : memref<128x1024xf32, #tpu.memory_space<any>>) dst(%arg14 : memref<128x1024xf32, #tpu.memory_space<vmem>>)
        %get3A_147 = arith.constant 0 : index
        %get3A_148 = arith.constant 0 : index
        %get3A_149 = vector.load %arg14[%get3A_147, %get3A_148] : memref<128x1024xf32, #tpu.memory_space<vmem>>, vector<128x1024xf32>
        %reduce_sum3A = arith.constant dense<0.000000e+00> : vector<128xf32>
        %reduce_sum3A_150 = vector.multi_reduction <add>, %get3A_149, %reduce_sum3A [1] : vector<128x1024xf32> to vector<128xf32>
        %broadcast_in_dim3A = vector.shape_cast %reduce_sum3A_150 : vector<128xf32> to vector<128x1xf32>
        %div3A_151 = arith.constant 1.024000e+03 : f32
        %div3A_152 = vector.broadcast %div3A_151 : f32 to vector<128x1xf32>
        %div3A_153 = arith.divf %broadcast_in_dim3A, %div3A_152 : vector<128x1xf32>
        %sub3A_154 = vector.broadcast %div3A_153 : vector<128x1xf32> to vector<128x1024xf32>
        %sub3A_155 = arith.subf %get3A_149, %sub3A_154 : vector<128x1024xf32>
        %integer_pow3A = arith.mulf %sub3A_155, %sub3A_155 : vector<128x1024xf32>
        %reduce_sum3A_156 = arith.constant dense<0.000000e+00> : vector<128xf32>
        %reduce_sum3A_157 = vector.multi_reduction <add>, %integer_pow3A, %reduce_sum3A_156 [1] : vector<128x1024xf32> to vector<128xf32>
        %broadcast_in_dim3A_158 = vector.shape_cast %reduce_sum3A_157 : vector<128xf32> to vector<128x1xf32>
        %div3A_159 = arith.constant 1.024000e+03 : f32
        %div3A_160 = vector.broadcast %div3A_159 : f32 to vector<128x1xf32>
        %div3A_161 = arith.divf %broadcast_in_dim3A_158, %div3A_160 : vector<128x1xf32>
        %sub3A_162 = vector.broadcast %div3A_153 : vector<128x1xf32> to vector<128x1024xf32>
        %sub3A_163 = arith.subf %get3A_149, %sub3A_162 : vector<128x1024xf32>
        %add3A_164 = arith.constant 9.99999974E-6 : f32
        %add3A_165 = vector.broadcast %add3A_164 : f32 to vector<128x1xf32>
        %add3A_166 = arith.addf %div3A_161, %add3A_165 : vector<128x1xf32>
        %sqrt3A = math.sqrt %add3A_166 : vector<128x1xf32>
        %div3A_167 = vector.broadcast %sqrt3A : vector<128x1xf32> to vector<128x1024xf32>
        %div3A_168 = arith.divf %sub3A_163, %div3A_167 : vector<128x1024xf32>
        %mul3A_169 = vector.broadcast %get3A_125 : vector<1x1024xf32> to vector<128x1024xf32>
        %mul3A_170 = arith.mulf %div3A_168, %mul3A_169 : vector<128x1024xf32>
        %add3A_171 = vector.broadcast %get3A_128 : vector<1x1024xf32> to vector<128x1024xf32>
        %add3A_172 = arith.addf %mul3A_170, %add3A_171 : vector<128x1024xf32>
        %convert_element_type3A_173 = arith.truncf %add3A_172 : vector<128x1024xf32> to vector<128x1024xbf16>
        %get3A_174 = arith.constant 0 : index
        %get3A_175 = arith.constant 0 : index
        %get3A_176 = vector.load %arg10[%get3A_174, %get3A_175] : memref<1024x4096xf32, #tpu.memory_space<vmem>>, vector<1024x4096xf32>
        %convert_element_type3A_177 = arith.truncf %get3A_176 : vector<1024x4096xf32> to vector<1024x4096xbf16>
        %dot_general3A = arith.constant dense<0.000000e+00> : vector<128x4096xf32>
        %dot_general3A_178 = tpu.matmul %convert_element_type3A_173, %convert_element_type3A_177, %dot_general3A {dimension_numbers = #tpu.dot_dimension_numbers<[1], [0], [0], [1], [0, 0, 1, 1], [], []>, transpose_lhs_hint = false} : vector<128x1024xbf16>, vector<1024x4096xbf16>, vector<128x4096xf32> -> vector<128x4096xf32>
        %integer_pow3A_179 = arith.mulf %dot_general3A_178, %dot_general3A_178 : vector<128x4096xf32>
        %integer_pow3A_180 = arith.mulf %dot_general3A_178, %integer_pow3A_179 : vector<128x4096xf32>
        %mul3A_181 = arith.constant 4.471500e-02 : f32
        %mul3A_182 = vector.broadcast %mul3A_181 : f32 to vector<128x4096xf32>
        %mul3A_183 = arith.mulf %mul3A_182, %integer_pow3A_180 : vector<128x4096xf32>
        %add3A_184 = arith.addf %dot_general3A_178, %mul3A_183 : vector<128x4096xf32>
        %mul3A_185 = arith.constant 0.797884583 : f32
        %mul3A_186 = vector.broadcast %mul3A_185 : f32 to vector<128x4096xf32>
        %mul3A_187 = arith.mulf %mul3A_186, %add3A_184 : vector<128x4096xf32>
        %tanh3A = math.tanh %mul3A_187 : vector<128x4096xf32>
        %add3A_188 = arith.constant 1.000000e+00 : f32
        %add3A_189 = vector.broadcast %add3A_188 : f32 to vector<128x4096xf32>
        %add3A_190 = arith.addf %add3A_189, %tanh3A : vector<128x4096xf32>
        %mul3A_191 = arith.constant 5.000000e-01 : f32
        %mul3A_192 = vector.broadcast %mul3A_191 : f32 to vector<128x4096xf32>
        %mul3A_193 = arith.mulf %mul3A_192, %add3A_190 : vector<128x4096xf32>
        %mul3A_194 = arith.mulf %dot_general3A_178, %mul3A_193 : vector<128x4096xf32>
        %convert_element_type3A_195 = arith.truncf %mul3A_194 : vector<128x4096xf32> to vector<128x4096xbf16>
        %get3A_196 = arith.constant 0 : index
        %get3A_197 = arith.constant 0 : index
        %get3A_198 = vector.load %arg11[%get3A_196, %get3A_197] : memref<4096x1024xf32, #tpu.memory_space<vmem>>, vector<4096x1024xf32>
        %convert_element_type3A_199 = arith.truncf %get3A_198 : vector<4096x1024xf32> to vector<4096x1024xbf16>
        %dot_general3A_200 = arith.constant dense<0.000000e+00> : vector<128x1024xf32>
        %dot_general3A_201 = tpu.matmul %convert_element_type3A_195, %convert_element_type3A_199, %dot_general3A_200 {dimension_numbers = #tpu.dot_dimension_numbers<[1], [0], [0], [1], [0, 0, 1, 1], [], []>, transpose_lhs_hint = false} : vector<128x4096xbf16>, vector<4096x1024xbf16>, vector<128x1024xf32> -> vector<128x1024xf32>
        %add3A_202 = arith.addf %get3A_149, %dot_general3A_201 : vector<128x1024xf32>
        %convert_element_type3A_203 = arith.truncf %add3A_202 : vector<128x1024xf32> to vector<128x1024xbf16>
        %get3A_204 = arith.constant 0 : index
        %get3A_205 = arith.constant 0 : index
        %get3A_206 = vector.load %arg12[%get3A_204, %get3A_205] : memref<8192x1024xbf16, #tpu.memory_space<vmem>>, vector<8192x1024xbf16>
        %dot_general3A_207 = arith.constant dense<0.000000e+00> : vector<128x8192xf32>
        %dot_general3A_208 = tpu.matmul %convert_element_type3A_203, %get3A_206, %dot_general3A_207 {dimension_numbers = #tpu.dot_dimension_numbers<[1], [1], [0], [0], [0, 0, 1, 0], [], []>, transpose_lhs_hint = false} : vector<128x1024xbf16>, vector<8192x1024xbf16>, vector<128x8192xf32> -> vector<128x8192xf32>
        %swap3A_209 = arith.constant 0 : index
        %swap3A_210 = arith.constant 0 : index
        %swap3A_211 = vector.load %arg15[%swap3A_209, %swap3A_210] : memref<128x8192xf32, #tpu.memory_space<vmem>>, vector<128x8192xf32>
        tpu.vector_store %arg15[%swap3A_209, %swap3A_210], %dot_general3A_208 {strides = array<i32>} : memref<128x8192xf32, #tpu.memory_space<vmem>>, vector<128x8192xf32>,
        %sub3A_212 = arith.subi %get3A_0, %mul3A_142 : i32
        %min3A = arith.constant 128 : i32
        %min3A_213 = arith.minsi %sub3A_212, %min3A : i32
        %while3A_214 = arith.constant 0 : i32
        %while3A_215 = arith.constant 0 : i32
        %while3A_216 = arith.subi %min3A_213, %while3A_214 : i32
        %while3A_217 = arith.addi %while3A_214, %while3A_216 : i32
        %while3A_218 = arith.constant 1 : i32
        %while3A_219 = arith.divsi %while3A_216, %while3A_218 : i32
        %while3A_220 = arith.muli %while3A_219, %while3A_218 : i32
        %while3A_221 = arith.addi %while3A_214, %while3A_220 : i32
        %while3A_222 = arith.constant 1 : i32
        %while3A_223 = scf.for %while3A_227 = %while3A_214 to %while3A_221 step %while3A_222 iter_args(%while3A_228 = %while3A_215) -> (i32)  : i32 {
          %add3A_229 = arith.addi %mul3A_142, %while3A_227 : i32
          %get3A_230 = arith.index_cast %add3A_229 : i32 to index
          %get3A_231 = memref.load %arg8[%get3A_230] : memref<4112xi32, #tpu.memory_space<smem>>
          %dma_start3A_232 = arith.constant 0 : i32
          %dma_start3A_233 = tpu.memref_slice %arg9[%get3A_231, %dma_start3A_232] : memref<4096x8192xf32, #tpu.memory_space<any>> -> memref<1x8192xf32, #tpu.memory_space<any>>
          %dma_start3A_234 = arith.constant 0 : i32
          %dma_start3A_235 = tpu.memref_slice %arg15[%while3A_227, %dma_start3A_234] : memref<128x8192xf32, #tpu.memory_space<vmem>> -> memref<1x8192xf32, #tpu.memory_space<vmem>>
          tpu.enqueue_dma source(%dma_start3A_235 : memref<1x8192xf32, #tpu.memory_space<vmem>>) target(%dma_start3A_233 : memref<1x8192xf32, #tpu.memory_space<any>>) target_semaphore(%arg18 : memref<!tpu.dma_semaphore, #tpu.memory_space<semaphore_mem>>)
          %dma_wait3A_236 = arith.constant 0 : i32
          %dma_wait3A_237 = tpu.memref_slice %arg9[%get3A_231, %dma_wait3A_236] : memref<4096x8192xf32, #tpu.memory_space<any>> -> memref<1x8192xf32, #tpu.memory_space<any>>
          %dma_wait3A_238 = arith.constant 0 : i32
          %dma_wait3A_239 = tpu.memref_slice %arg15[%while3A_227, %dma_wait3A_238] : memref<128x8192xf32, #tpu.memory_space<vmem>> -> memref<1x8192xf32, #tpu.memory_space<vmem>>
          tpu.wait_dma2 semaphore(%arg18 : memref<!tpu.dma_semaphore, #tpu.memory_space<semaphore_mem>>) src(%dma_wait3A_239 : memref<1x8192xf32, #tpu.memory_space<vmem>>) dst(%dma_wait3A_237 : memref<1x8192xf32, #tpu.memory_space<any>>)
          %while3A_240 = arith.constant 0 : i32
          scf.yield %while3A_240 : i32
        }
        %while3A_224 = arith.constant 1 : i32
        %while3A_225 = scf.for %while3A_227 = %while3A_221 to %while3A_217 step %while3A_224 iter_args(%while3A_228 = %while3A_223) -> (i32)  : i32 {
          %add3A_229 = arith.addi %mul3A_142, %while3A_227 : i32
          %get3A_230 = arith.index_cast %add3A_229 : i32 to index
          %get3A_231 = memref.load %arg8[%get3A_230] : memref<4112xi32, #tpu.memory_space<smem>>
          %dma_start3A_232 = arith.constant 0 : i32
          %dma_start3A_233 = tpu.memref_slice %arg9[%get3A_231, %dma_start3A_232] : memref<4096x8192xf32, #tpu.memory_space<any>> -> memref<1x8192xf32, #tpu.memory_space<any>>
          %dma_start3A_234 = arith.constant 0 : i32
          %dma_start3A_235 = tpu.memref_slice %arg15[%while3A_227, %dma_start3A_234] : memref<128x8192xf32, #tpu.memory_space<vmem>> -> memref<1x8192xf32, #tpu.memory_space<vmem>>
          tpu.enqueue_dma source(%dma_start3A_235 : memref<1x8192xf32, #tpu.memory_space<vmem>>) target(%dma_start3A_233 : memref<1x8192xf32, #tpu.memory_space<any>>) target_semaphore(%arg18 : memref<!tpu.dma_semaphore, #tpu.memory_space<semaphore_mem>>)
          %dma_wait3A_236 = arith.constant 0 : i32
          %dma_wait3A_237 = tpu.memref_slice %arg9[%get3A_231, %dma_wait3A_236] : memref<4096x8192xf32, #tpu.memory_space<any>> -> memref<1x8192xf32, #tpu.memory_space<any>>
          %dma_wait3A_238 = arith.constant 0 : i32
          %dma_wait3A_239 = tpu.memref_slice %arg15[%while3A_227, %dma_wait3A_238] : memref<128x8192xf32, #tpu.memory_space<vmem>> -> memref<1x8192xf32, #tpu.memory_space<vmem>>
          tpu.wait_dma2 semaphore(%arg18 : memref<!tpu.dma_semaphore, #tpu.memory_space<semaphore_mem>>) src(%dma_wait3A_239 : memref<1x8192xf32, #tpu.memory_space<vmem>>) dst(%dma_wait3A_237 : memref<1x8192xf32, #tpu.memory_space<any>>)
          %while3A_240 = arith.constant 0 : i32
          scf.yield %while3A_240 : i32
        }
        %while3A_226 = arith.constant 0 : i32
        scf.yield %while3A_226 : i32
      }
    } else {
    }
    return
  }
}

</mosaic_0001>

<sc_bundles>
// kernel: kernel.11.cloned.1.call-start
scs
__scs_entry_jumppad:
0x0: {  	(pc) =	sbr.rel $0x88, $3  }
0x1: {  	(tag) =	ssettag $0x0;
	lr =	simm.s32 $0x1  }
0x2: {  	[smem:$0x3F96] =	sst lr;
	_ =	strace $0xD0000000  }
0x3: {  	_ = 	snop  }
0x4: {  	_ = 	snop  }
0x5: {  	_ = 	snop  }
0x6: {  	_ = 	snop  }
0x7: {  	_ = 	snop  }
__scs_overlays_trampoline_lowered:
0x8: {  	[smem:$0x3FA5] =	sst s0  }
0x9: {  	[smem:$0x3FA6] =	sst s1  }
0xa: {  	[smem:$0x3FA7] =	sst s2  }
0xb: {  	[smem:$0x3FA8] =	sst s3  }
0xc: {  	[smem:$0x3FA9] =	sst s4  }
0xd: {  	[smem:$0x3FAA] =	sst s5  }
0xe: {  	[smem:$0x3FAB] =	sst s6  }
0xf: {  	[smem:$0x3FAC] =	sst s7  }
0x10: {  	[smem:$0x3FAD] =	sst s8  }
0x11: {  	[smem:$0x3FAE] =	sst s9;
	s0 =	simm.s32 @!p0 $0x0  }
0x12: {  	s1 =	sld [smem:$0x3F94];
	s0 =	simm.s32 @p0 $0x1  }
0x13: {  	[smem:$0x3FAF] =	sst s0;
	s0 =	simm.s32 @!p1 $0x0  }
0x14: {  	s2 =	sld [smem:$0x3F93];
	s0 =	simm.s32 @p1 $0x1  }
0x15: {  	[smem:$0x3FB0] =	sst s0;
	s0 =	simm.s32 @!p2 $0x0  }
0x16: {  	s3 =	sld [smem:$0x3FDB];
	s0 =	simm.s32 @p2 $0x1  }
0x17: {  	s4 =	simm.s32 $0x1BF5;
	[smem:$0x3FB2] =	sst s0  }
0x18: {  	s0 =	sld [smem:$0x3F95];
	_ =	swait.ge [sflag:s4], $0x0  }
0x19: {  	s7 =	sld [smem:$0x3F96]  }
0x1a: {  	s8 =	sadd.s32 $0xFFFFE003, lr  }
0x1b: {  	s9 =	sadd.s32 $0xFFFFFEF7, lr;
	s5 =	simm.s32 $0xFFFFFFFF;
	p2 =	slt.u32 s8, $0xFFFFF086  }
0x1c: {  	p1 =	slt.u32 s9, $0xF7A;
	s5 =	simm.s32 @!p2 $0x0  }
0x1d: {  	s5 =	simm.s32 @p1 $0x1;
	p0 =	seq.s32 s7, s2  }
0x1e: {  	s7 =	smul.u32 @!p0 $0xF7A, s2;
	p2 =	seq.s32 @!p0 s5, $0x0  }
0x1f: {  	s9 =	smul.u32 $0xF7A, s1;
	s8 =	simm.s32 @!p0 $0x1BF5;
	p2 =	por !p2, p0  }
0x20: {  	[sflag:s8] =	ssyncset.s32 @!p0 $0xFFFFF086;
	s6 =	sadd.s32 @!p0 s3, s7;
	s7 =	simm.s32 @!p0 $0x108  }
0x21: {  	s3 =	sadd.s32 s3, s9;
	s6 =	sadd.s32 @!p0 $0x88, s6;
	s7 =	simm.s32 @p2 $0x1082  }
0x22: {  	[simem:s7], [sflag:s8] =	dma.local @!p0 [hbm:s6], $0xF7A  }
0x23: {  	s9 =	sor.u32 $0xD0000000, s2;
	s6 =	simm.s32 $0x108;
	_ =	swait.ge @!p0 [sflag:s8], $0x0  }
0x24: {  	s3 =	sadd.s32 $0x88, s3;
	s6 =	simm.s32 @!p1 $0x1082;
	[sflag:s4] =	ssyncset.s32 $0xFFFFF086  }
0x25: {  	[simem:s6], [sflag:s4] =	dma.local [hbm:s3], $0xF7A  }
0x26: {  	[smem:$0x3F96] =	sst s1;
	(tag) =	ssettag s2;
	_ =	strace s9  }
0x27: {  	s1 =	sld [smem:$0x3FA6]  }
0x28: {  	s2 =	sld [smem:$0x3FA7]  }
0x29: {  	s4 =	sld [smem:$0x3FA9]  }
0x2a: {  	p0 =	seq.s32 s5, $0x0;
	s5 =	sld [smem:$0x3FAA]  }
0x2b: {  	s6 =	sld [smem:$0x3FAB]  }
0x2c: {  	s7 =	sld [smem:$0x3FAC]  }
0x2d: {  	s3 =	simm.s32 $0x108;
	s8 =	sld [smem:$0x3FAD]  }
0x2e: {  	s3 =	simm.s32 @!p0 $0x1082;
	s9 =	sld [smem:$0x3FAE]  }
0x2f: {  	lr =	sadd.s32 s0, s3;
	s0 =	sld [smem:$0x3FA5]  }
0x30: {  	s3 =	sld [smem:$0x3FA8]  }
0x31: {  	[smem:$0x3FB1] =	sst s10  }
0x32: {  	s10 =	sld [smem:$0x3FAF];
	_ =	sdelay $0x3  }
0x33: {  	p0 =	seq.s32 s10, $0x1;
	s10 =	sld [smem:$0x3FB1];
	_ =	sdelay $0x3  }
0x34: {  	[smem:$0x3FB1] =	sst s10  }
0x35: {  	s10 =	sld [smem:$0x3FB0];
	_ =	sdelay $0x3  }
0x36: {  	p1 =	seq.s32 s10, $0x1;
	s10 =	sld [smem:$0x3FB1];
	_ =	sdelay $0x3  }
0x37: {  	[smem:$0x3FB1] =	sst s10  }
0x38: {  	s10 =	sld [smem:$0x3FB2]  }
0x39: {  	_ = 	snop;
	(pc) =	sbr.ind lr, $3  }
0x3a: {  	_ = 	snop  }
0x3b: {  	_ = 	snop  }
0x3c: {  	p2 =	seq.s32 s10, $0x1;
	s10 =	sld [smem:$0x3FB1]  }
0x3d: {  	_ =	shalt  }
0x3e: {  	_ =	shalt  }
0x3f: {  	_ =	shalt  }
0x40: {  	_ =	shalt  }
0x41: {  	_ =	shalt  }
0x42: {  	_ =	shalt  }
0x43: {  	_ =	shalt  }
0x44: {  	_ =	shalt  }
0x45: {  	_ =	shalt  }
0x46: {  	_ =	shalt  }
0x47: {  	_ =	shalt  }
0x48: {  	_ =	shalt  }
0x49: {  	_ =	shalt  }
0x4a: {  	_ =	shalt  }
0x4b: {  	_ =	shalt  }
0x4c: {  	_ =	shalt  }
0x4d: {  	_ =	shalt  }
0x4e: {  	_ =	shalt  }
0x4f: {  	_ =	shalt  }
0x50: {  	_ =	shalt  }
0x51: {  	_ =	shalt  }
0x52: {  	_ =	shalt  }
0x53: {  	_ =	shalt  }
0x54: {  	_ =	shalt  }
0x55: {  	_ =	shalt  }
0x56: {  	_ =	shalt  }
0x57: {  	_ =	shalt  }
0x58: {  	_ =	shalt  }
0x59: {  	_ =	shalt  }
0x5a: {  	_ =	shalt  }
0x5b: {  	_ =	shalt  }
0x5c: {  	_ =	shalt  }
0x5d: {  	_ =	shalt  }
0x5e: {  	_ =	shalt  }
0x5f: {  	_ =	shalt  }
0x60: {  	_ =	shalt  }
0x61: {  	_ =	shalt  }
0x62: {  	_ =	shalt  }
0x63: {  	_ =	shalt  }
0x64: {  	_ =	shalt  }
0x65: {  	_ =	shalt  }
0x66: {  	_ =	shalt  }
0x67: {  	_ =	shalt  }
0x68: {  	_ =	shalt  }
0x69: {  	_ =	shalt  }
0x6a: {  	_ =	shalt  }
0x6b: {  	_ =	shalt  }
0x6c: {  	_ =	shalt  }
0x6d: {  	_ =	shalt  }
0x6e: {  	_ =	shalt  }
0x6f: {  	_ =	shalt  }
0x70: {  	_ =	shalt  }
0x71: {  	_ =	shalt  }
0x72: {  	_ =	shalt  }
0x73: {  	_ =	shalt  }
0x74: {  	_ =	shalt  }
0x75: {  	_ =	shalt  }
0x76: {  	_ =	shalt  }
0x77: {  	_ =	shalt  }
0x78: {  	_ =	shalt  }
0x79: {  	_ =	shalt  }
0x7a: {  	_ =	shalt  }
0x7b: {  	_ =	shalt  }
0x7c: {  	_ =	shalt  }
0x7d: {  	_ =	shalt  }
0x7e: {  	_ =	shalt  }
0x7f: {  	_ =	shalt  }
0x80: {  	_ =	shalt  }
0x81: {  	_ =	shalt  }
0x82: {  	_ =	shalt  }
0x83: {  	_ =	shalt  }
0x84: {  	_ =	shalt  }
0x85: {  	_ =	shalt  }
0x86: {  	_ =	shalt  }
0x87: {  	_ =	shalt  }
.Lfunc_end0:
.L_simem_size_0:
called_computation.1_lowered:
.L_overlay_start_0:
0x88: {  	s2 =	sld [smem:$0x3FD9]  }
0x89: {  	s3 =	sld [smem:$0x3FFE];
	_ =	sdelay $0x1  }
0x8a: {  	s1 =	srdreg.scid  }
0x8b: {  	s0 =	sand.u32 $0x1, s1  }
0x8c: {  	s14 =	sshll.u32 s0, $0xA;
	s2 =	sadd.s32 s3, s2  }
0x8d: {  	s2 =	sadd.s32 s2, s14  }
0x8e: {  	[smem:$0x3FBD] =	sst s2  }
0x8f: {  	_ = 	snop  }
0x90: {  	s2 =	sld [smem:$0x3FD0];
	_ =	sdelay $0x2  }
0x91: {  	s15 =	simm.s32 $0xA;
	s4 =	simm.s32 $0x10  }
0x92: {  	[smem:s4], [sflag:s15] =	dma.local [hbm:s2], $0x1  }
0x93: {  	_ =	swait.eq [sflag:s15], $0x1  }
0x94: {  	[sflag:s15] =	ssyncset.done $0x0  }
0x95: {  	[sflag:s15] =	ssyncadd.s32 $0xFFFFFFFF  }
0x96: {  	s16 =	sld [smem:$0x10];
	(tm) =	ssettm $0x1  }
0x97: {  	s17 =	sld [smem:$0x3FFB];
	_ =	sdelay $0x3  }
0x98: {  	_ =	strace s17  }
0x99: {  	s3 =	sld [smem:$0x3FFC];
	_ =	sdelay $0x3  }
0x9a: {  	_ =	strace s3  }
0x9b: {  	s3 =	sld [smem:$0x3FFD];
	_ =	sdelay $0x3  }
0x9c: {  	_ =	strace s3  }
0x9d: {  	_ =	strace $0x8FFFFFFF  }
0x9e: {  	s18 =	sld [smem:$0x3FDB];
	_ =	sdelay $0x1  }
0x9f: {  	s19 =	simm.s32 $_scs_section_size  }
0xa0: {  	s5 =	simm.s32 $_size__tile_overlayer_lowered;
	s6 =	simm.s32 $_tile_overlayer_lowered  }
0xa1: {  	s22 =	simm.s32 $0x1BFF;
	s21 =	sshll.u32 s6, $0x1;
	s3 =	sadd.s32 s19, s18  }
0xa2: {  	s7 =	simm.s32 $0x0;
	s20 =	sshll.u32 s5, $0x1;
	s5 =	sadd.s32 s21, s3  }
0xa3: {  	[timem:s7], [sflag:s22] =	dma.local [hbm:s5], s20  }
0xa4: {  	_ =	swait.ge [sflag:s22], s20  }
0xa5: {  	s4 =	ssub.s32 $0x0, s20;
	[sflag:s22] =	ssyncset.done $0x0  }
0xa6: {  	[sflag:s22] =	ssyncadd.s32 s4;
	_ =	sdelay $0x1  }
0xa7: {  	s23 =	simm.s32 $0x1B8B  }
0xa8: {  	_ =	swait.ge [sflag:s23], $0x1  }
0xa9: {  	[sflag:s23] =	ssyncset.done $0x0  }
0xaa: {  	s25 =	simm.s32 $0x1B8E;
	s24 =	sld [smem:$0x3FFE];
	[sflag:s23] =	ssyncadd.s32 $0xFFFFFFFF  }
0xab: {  	s26 =	simm.s32 $execute0_lowered;
	[smem:$0x3FD2] =	sst s25  }
0xac: {  	s5 =	sshll.u32 s26, $0x1;
	_ =	strace $0x80000049;
	[dreg:$0x1] =	wrdreg $0xFFFFFFFF  }
0xad: {  	s28 =	simm.s32 $_size_execute0_lowered;
	s3 =	sadd.s32 s3, s5;
	[dreg:$0x0] =	wrdreg $0x0  }
0xae: {  	s5 =	sshll.u32 s28, $0x1;
	[dreg:$0x2] =	wrdreg s3  }
0xaf: {  	[dreg:$0x3] =	wrdreg s5  }
0xb0: {  	[dreg:$0x4] =	wrdreg $0xC0  }
0xb1: {  	_ =	task [dreg:s7], $0x5FFFF  }
0xb2: {  	[dreg:$0x1] =	wrdreg $0xFFFFFFFF  }
0xb3: {  	[dreg:$0x0] =	wrdreg $0x60  }
0xb4: {  	[dreg:$0x2] =	wrdreg s16  }
0xb5: {  	[dreg:$0x3] =	wrdreg s24  }
0xb6: {  	[dreg:$0x4] =	wrdreg $0x9  }
0xb7: {  	_ =	task.clear_ibuf [dreg:s7], $0x5FFFF;
	_ =	strace $0x90000049  }
0xb8: {  	s29 =	simm.s32 $0x9;
	_ =	strace $0x8000004B  }
0xb9: {  	_ =	swait.ge [sflag:s29], $0x1  }
0xba: {  	[sflag:s29] =	ssyncadd.s32 $0xFFFFFFFF  }
0xbb: {  	_ =	strace $0x9000004B  }
0xbc: {  	_ =	sfence  }
0xbd: {  	s30 =	sld [smem:$0x0];
	_ =	sdelay $0x2  }
0xbe: {  	s31 =	sshll.u32 s1, $0xD;
	s1 =	sshrl.u32 s1, $0x2  }
0xbf: {  	s3 =	sand.u32 $0x4000, s31;
	s1 =	sadd.s32 s1, s30  }
0xc0: {  	s0 =	sor.u32 s3, s0;
	s1 =	sshll.u32 s1, $0x11  }
0xc1: {  	s0 =	sor.u32 s1, s0  }
0xc2: {  	s0 =	sadd.s32 $0x8F2B, s0  }
0xc3: {  	[sflag:s0] =	ssyncadd.remote.s32 $0x1  }
0xc4: {  	_ =	sfence.sel $0xFFFF  }
0xc5: {  	[dreg:$0x0] =	wrdreg $0xFFFFFFFF;
	(pc) =	sbr.abs _section_cstart, $3  }
0xc6: {  	[dreg:$0x1] =	wrdreg $0xFFFFFFFF  }
0xc7: {  	_ =	task.clear_ibuf [dreg:s7], $0x2FFFF;
	_ =	strace $0x9FFFFFFF  }
0xc8: {  	(tm) =	ssettm $0x7FFFFFFF  }
0xc9: {  	_ =	shalt  }
tec
execute0_lowered:
.L_overlay_start_1:
0x0: {  	(tag) =	ssettag $0x1  }
0x1: {  	s0 =	srdreg.scid  }
0x2: {  	s3 =	sand.u32 $0x1, s0;
	s0 =	stileid.u32  }
0x3: {  	s5 =	sshll.u32 s0, $0x1;
	s6 =	ssub.s32 $0x0, s3  }
0x4: {  	p0 =	sne.s32 s5, s6  }
.Ltmp0:
0x5: {  	_ = 	snop;
	(pc) =	sbr.rel @p0 .LBB2_5-.Ltmp0, $4  }
0x6: {  	_ = 	snop  }
0x7: {  	s2 =	rddreg [dreg:$0x0]  }
0x8: {  	s4 =	rddreg [dreg:$0x1]  }
0x9: {  	s1 =	rddreg [dreg:$0x2];
	_ =	strace $0x8000004A  }
0xa: {  	s5 =	ssub.s32 $0x2, s3;
	s3 =	sadd.s32 $0xA00, s4  }
0xb: {  	s4 =	sadd.s32 $0xE00, s4;
	s7 =	simm.s32 $0x1;
	s6 =	sshrl.u32 s5, $0x1  }
0xc: {  	s8 =	simm.s32 $0x1000;
	s9 =	simm.s32 $0x2080;
	s5 =	ssub.s32 s5, s6  }
0xd: {  	v0 =	vlaneseq.u32;
	v1 =	vimm.s32 $0x0;
	s10 =	simm.s32 $0x0;
	s6 =	simm.s32 $0x0;
	s5 =	smax.u32 s5, $0x1  }
.LBB2_2:
0xe: {  	[tilespmem:s6], [sflag:$0x1] =	stream.linear.gather [hbm4b:s2+s6], $0x1000, $0x38;
	[tilespmem:$0x2100] =	vst v63  }
0xf: {  	_ =	swait.ge [sflag:s7], $0x1000  }
0x10: {  	[sflag:s7] =	ssyncset.done $0x0  }
0x11: {  	[sflag:s7] =	ssyncadd.s32 $0xFFFFF000  }
0x12: {  	v2 =	vld [tilespmem:s6+$0x0];
	_ =	sdelay $0x4  }
0x13: {  	(xrf0) =	vadd.scan.msk.s32 $0xffff, v2;
	_ =	sdelay $0x5  }
0x14: {  	v3, _, _ =	vpop (xrf0)  }
0x15: {  	(v2sf) =	vpush v3, $0xF;
	_ =	sdelay $0x1  }
0x16: {  	vm0 =	vne.s32 v2, $0x0;
	v2 =	vor.u32 s6, v0  }
0x17: {  	s11 =	simm.s32 $0x10;
	[tilespmem:s6+$0x1000] =	vst.msk vm0, v2  }
0x18: {  	s13 =	simm.s32 $0x20;
	s12 =	simm.s32 $0x0;
	s14 =	simm.s32 $0x10;
	v2 =	vld [tilespmem:s11+$0x0]  }
.LBB2_3:
0x19: {  	p0 =	sne.s32 s13, $0xFF0;
	_ =	sdelay $0x3  }
0x1a: {  	vm0 =	vne.s32 v2, $0x0;
	(xrf0) =	vadd.scan.msk.s32 $0xffff, v2;
	_ =	sdelay $0x5  }
0x1b: {  	v2, _, _ =	vpop (xrf0);
	s15 =	spop (v2sf)  }
.Ltmp1:
0x1c: {  	v3 =	vor.u32 s11, v0;
	s11 =	smov.u32 s13;
	(v2sf) =	vpush v2, $0xF;
	s12 =	sadd.s32 s12, s15;
	(pc) =	sbr.rel @p0 .LBB2_3-.Ltmp1, $3  }
0x1d: {  	[tilespmem:s12+$0x1000] =	vst.msk vm0, v3;
	_ =	sdelay $0x1  }
0x1e: {  	s14 =	sadd.s32 $0x10, s14  }
0x1f: {  	s13 =	sadd.s32 $0x10, s13;
	v2 =	vld [tilespmem:s14+$0x0]  }
0x20: {  	_ =	sdelay $0x3  }
0x21: {  	(xrf0) =	vadd.scan.msk.s32 $0xffff, v2;
	_ =	sdelay $0x5  }
0x22: {  	v3, _, _ =	vpop (xrf0)  }
0x23: {  	(v2sf) =	vpush v3, $0xF;
	_ =	sdelay $0xd  }
0x24: {  	s13 =	spop (v2sf)  }
0x25: {  	vm0 =	vne.s32 v2, $0x0;
	v2 =	vor.u32 s11, v0;
	s30 =	sadd.s32 s12, s13;
	s31 =	spop (v2sf)  }
0x26: {  	[tilespmem:s30+$0x1000] =	vst.msk vm0, v2;
	s11 =	sadd.s32 s30, s31  }
0x27: {  	[tilespmem:s11+$0x1000] =	vst v1;
	v2 =	vmov s11  }
0x28: {  	[tilespmem:$0x2080] =	vst v2  }
0x29: {  	[hbm4b:s3+s6] =	stream.linear.scatter [tilespmem:s8], [sflag:$0x1], $0x1080, $0x38;
	[tilespmem:$0x2100] =	vst v63  }
0x2a: {  	s10 =	sadd.s32 $0x1, s10;
	_ =	swait.ge [sflag:s7], $0x1080  }
0x2b: {  	p0 =	sne.s32 s10, s5;
	[sflag:s7] =	ssyncset.done $0x0  }
.Ltmp2:
0x2c: {  	[sflag:s7] =	ssyncadd.s32 $0xFFFFEF80;
	(pc) =	sbr.rel @p0 .LBB2_2-.Ltmp2, $4  }
0x2d: {  	[hbm4b:s4+s6] =	stream.linear.scatter [tilespmem:s9], [sflag:$0x1], $0x80, $0x38;
	[tilespmem:$0x2100] =	vst v63  }
0x2e: {  	_ =	swait.ge [sflag:s7], $0x80  }
0x2f: {  	[sflag:s7] =	ssyncset.done $0x0  }
0x30: {  	[sflag:s7] =	ssyncadd.s32 $0xFFFFFF80  }
.LBB2_5:
0x31: {  	_ =	sfence.sel $0x180000  }
0x32: {  	[bflag:$0x0] =	sbarrier.arrive $0xFFFF  }
0x33: {  	p0 =	sne.s32 s0, $0x0;
	_ =	strace $0x9000004A  }
0x34: {  	s0 =	sadd.s32 @!p0 $0x100000, s1;
	[bflag:$0x2] =	sbarrier.arrive $0xFFFF  }
0x35: {  	[sflag:s0] =	ssyncadd.tile.s32 @!p0 $0x1;
	_ =	shalt  }
.Lfunc_end2:
_tile_overlayer_lowered:
.L_overlay_start_2:
0x36: {  	(tag) =	ssettag $0x2  }
0x37: {  	s0 =	rddreg [dreg:$0x0];
	s2 =	stileid.u32  }
0x38: {  	s1 =	rddreg [dreg:$0x1];
	p0 =	sne.s32 s2, $0x0  }
0x39: {  	s3 =	rddreg [dreg:$0x2];
	[bflag:$0x3] =	sbarrier.arrive $0xFFFF;
	s2 =	simm.s32 @!p0 $0x1C01  }
0x3a: {  	[timem:s3], [sflag:s2] =	dma.local @!p0 [hbm:s0], s1  }
0x3b: {  	s0 =	simm.s32 @!p0 $0x1  }
0x3c: {  	_ =	swait.ge @!p0 [sflag:s0], s1  }
0x3d: {  	s1 =	ssub.s32 @!p0 $0x0, s1;
	[sflag:s0] =	ssyncset.done @!p0 $0x0  }
0x3e: {  	[sflag:s0] =	ssyncadd.s32 @!p0 s1  }
0x3f: {  	[bflag:$0x3] =	sbarrier.arrive $0xFFFF  }
0x40: {  	_ =	shalt  }

// kernel: kernel.14.cloned.1.call-start
scs
__scs_entry_jumppad:
0x0: {  	(pc) =	sbr.rel $0x88, $3  }
0x1: {  	(tag) =	ssettag $0x0;
	lr =	simm.s32 $0x1  }
0x2: {  	[smem:$0x3F96] =	sst lr;
	_ =	strace $0xD0000000  }
0x3: {  	_ = 	snop  }
0x4: {  	_ = 	snop  }
0x5: {  	_ = 	snop  }
0x6: {  	_ = 	snop  }
0x7: {  	_ = 	snop  }
__scs_overlays_trampoline_lowered:
0x8: {  	[smem:$0x3FA5] =	sst s0  }
0x9: {  	[smem:$0x3FA6] =	sst s1  }
0xa: {  	[smem:$0x3FA7] =	sst s2  }
0xb: {  	[smem:$0x3FA8] =	sst s3  }
0xc: {  	[smem:$0x3FA9] =	sst s4  }
0xd: {  	[smem:$0x3FAA] =	sst s5  }
0xe: {  	[smem:$0x3FAB] =	sst s6  }
0xf: {  	[smem:$0x3FAC] =	sst s7  }
0x10: {  	[smem:$0x3FAD] =	sst s8  }
0x11: {  	[smem:$0x3FAE] =	sst s9;
	s0 =	simm.s32 @!p0 $0x0  }
0x12: {  	s1 =	sld [smem:$0x3F94];
	s0 =	simm.s32 @p0 $0x1  }
0x13: {  	[smem:$0x3FAF] =	sst s0;
	s0 =	simm.s32 @!p1 $0x0  }
0x14: {  	s2 =	sld [smem:$0x3F93];
	s0 =	simm.s32 @p1 $0x1  }
0x15: {  	[smem:$0x3FB0] =	sst s0;
	s0 =	simm.s32 @!p2 $0x0  }
0x16: {  	s3 =	sld [smem:$0x3FDB];
	s0 =	simm.s32 @p2 $0x1  }
0x17: {  	s4 =	simm.s32 $0x1BF5;
	[smem:$0x3FB2] =	sst s0  }
0x18: {  	s0 =	sld [smem:$0x3F95];
	_ =	swait.ge [sflag:s4], $0x0  }
0x19: {  	s7 =	sld [smem:$0x3F96]  }
0x1a: {  	s8 =	sadd.s32 $0xFFFFE003, lr  }
0x1b: {  	s9 =	sadd.s32 $0xFFFFFEF7, lr;
	s5 =	simm.s32 $0xFFFFFFFF;
	p2 =	slt.u32 s8, $0xFFFFF086  }
0x1c: {  	p1 =	slt.u32 s9, $0xF7A;
	s5 =	simm.s32 @!p2 $0x0  }
0x1d: {  	s5 =	simm.s32 @p1 $0x1;
	p0 =	seq.s32 s7, s2  }
0x1e: {  	s7 =	smul.u32 @!p0 $0xF7A, s2;
	p2 =	seq.s32 @!p0 s5, $0x0  }
0x1f: {  	s9 =	smul.u32 $0xF7A, s1;
	s8 =	simm.s32 @!p0 $0x1BF5;
	p2 =	por !p2, p0  }
0x20: {  	[sflag:s8] =	ssyncset.s32 @!p0 $0xFFFFF086;
	s6 =	sadd.s32 @!p0 s3, s7;
	s7 =	simm.s32 @!p0 $0x108  }
0x21: {  	s3 =	sadd.s32 s3, s9;
	s6 =	sadd.s32 @!p0 $0x88, s6;
	s7 =	simm.s32 @p2 $0x1082  }
0x22: {  	[simem:s7], [sflag:s8] =	dma.local @!p0 [hbm:s6], $0xF7A  }
0x23: {  	s9 =	sor.u32 $0xD0000000, s2;
	s6 =	simm.s32 $0x108;
	_ =	swait.ge @!p0 [sflag:s8], $0x0  }
0x24: {  	s3 =	sadd.s32 $0x88, s3;
	s6 =	simm.s32 @!p1 $0x1082;
	[sflag:s4] =	ssyncset.s32 $0xFFFFF086  }
0x25: {  	[simem:s6], [sflag:s4] =	dma.local [hbm:s3], $0xF7A  }
0x26: {  	[smem:$0x3F96] =	sst s1;
	(tag) =	ssettag s2;
	_ =	strace s9  }
0x27: {  	s1 =	sld [smem:$0x3FA6]  }
0x28: {  	s2 =	sld [smem:$0x3FA7]  }
0x29: {  	s4 =	sld [smem:$0x3FA9]  }
0x2a: {  	p0 =	seq.s32 s5, $0x0;
	s5 =	sld [smem:$0x3FAA]  }
0x2b: {  	s6 =	sld [smem:$0x3FAB]  }
0x2c: {  	s7 =	sld [smem:$0x3FAC]  }
0x2d: {  	s3 =	simm.s32 $0x108;
	s8 =	sld [smem:$0x3FAD]  }
0x2e: {  	s3 =	simm.s32 @!p0 $0x1082;
	s9 =	sld [smem:$0x3FAE]  }
0x2f: {  	lr =	sadd.s32 s0, s3;
	s0 =	sld [smem:$0x3FA5]  }
0x30: {  	s3 =	sld [smem:$0x3FA8]  }
0x31: {  	[smem:$0x3FB1] =	sst s10  }
0x32: {  	s10 =	sld [smem:$0x3FAF];
	_ =	sdelay $0x3  }
0x33: {  	p0 =	seq.s32 s10, $0x1;
	s10 =	sld [smem:$0x3FB1];
	_ =	sdelay $0x3  }
0x34: {  	[smem:$0x3FB1] =	sst s10  }
0x35: {  	s10 =	sld [smem:$0x3FB0];
	_ =	sdelay $0x3  }
0x36: {  	p1 =	seq.s32 s10, $0x1;
	s10 =	sld [smem:$0x3FB1];
	_ =	sdelay $0x3  }
0x37: {  	[smem:$0x3FB1] =	sst s10  }
0x38: {  	s10 =	sld [smem:$0x3FB2]  }
0x39: {  	_ = 	snop;
	(pc) =	sbr.ind lr, $3  }
0x3a: {  	_ = 	snop  }
0x3b: {  	_ = 	snop  }
0x3c: {  	p2 =	seq.s32 s10, $0x1;
	s10 =	sld [smem:$0x3FB1]  }
0x3d: {  	_ =	shalt  }
0x3e: {  	_ =	shalt  }
0x3f: {  	_ =	shalt  }
0x40: {  	_ =	shalt  }
0x41: {  	_ =	shalt  }
0x42: {  	_ =	shalt  }
0x43: {  	_ =	shalt  }
0x44: {  	_ =	shalt  }
0x45: {  	_ =	shalt  }
0x46: {  	_ =	shalt  }
0x47: {  	_ =	shalt  }
0x48: {  	_ =	shalt  }
0x49: {  	_ =	shalt  }
0x4a: {  	_ =	shalt  }
0x4b: {  	_ =	shalt  }
0x4c: {  	_ =	shalt  }
0x4d: {  	_ =	shalt  }
0x4e: {  	_ =	shalt  }
0x4f: {  	_ =	shalt  }
0x50: {  	_ =	shalt  }
0x51: {  	_ =	shalt  }
0x52: {  	_ =	shalt  }
0x53: {  	_ =	shalt  }
0x54: {  	_ =	shalt  }
0x55: {  	_ =	shalt  }
0x56: {  	_ =	shalt  }
0x57: {  	_ =	shalt  }
0x58: {  	_ =	shalt  }
0x59: {  	_ =	shalt  }
0x5a: {  	_ =	shalt  }
0x5b: {  	_ =	shalt  }
0x5c: {  	_ =	shalt  }
0x5d: {  	_ =	shalt  }
0x5e: {  	_ =	shalt  }
0x5f: {  	_ =	shalt  }
0x60: {  	_ =	shalt  }
0x61: {  	_ =	shalt  }
0x62: {  	_ =	shalt  }
0x63: {  	_ =	shalt  }
0x64: {  	_ =	shalt  }
0x65: {  	_ =	shalt  }
0x66: {  	_ =	shalt  }
0x67: {  	_ =	shalt  }
0x68: {  	_ =	shalt  }
0x69: {  	_ =	shalt  }
0x6a: {  	_ =	shalt  }
0x6b: {  	_ =	shalt  }
0x6c: {  	_ =	shalt  }
0x6d: {  	_ =	shalt  }
0x6e: {  	_ =	shalt  }
0x6f: {  	_ =	shalt  }
0x70: {  	_ =	shalt  }
0x71: {  	_ =	shalt  }
0x72: {  	_ =	shalt  }
0x73: {  	_ =	shalt  }
0x74: {  	_ =	shalt  }
0x75: {  	_ =	shalt  }
0x76: {  	_ =	shalt  }
0x77: {  	_ =	shalt  }
0x78: {  	_ =	shalt  }
0x79: {  	_ =	shalt  }
0x7a: {  	_ =	shalt  }
0x7b: {  	_ =	shalt  }
0x7c: {  	_ =	shalt  }
0x7d: {  	_ =	shalt  }
0x7e: {  	_ =	shalt  }
0x7f: {  	_ =	shalt  }
0x80: {  	_ =	shalt  }
0x81: {  	_ =	shalt  }
0x82: {  	_ =	shalt  }
0x83: {  	_ =	shalt  }
0x84: {  	_ =	shalt  }
0x85: {  	_ =	shalt  }
0x86: {  	_ =	shalt  }
0x87: {  	_ =	shalt  }
.Lfunc_end0:
.L_simem_size_0:
called_computation.2_lowered:
.L_overlay_start_0:
0x88: {  	s2 =	sld [smem:$0x3FD9]  }
0x89: {  	s3 =	sld [smem:$0x3FFE];
	_ =	sdelay $0x1  }
0x8a: {  	s1 =	srdreg.scid  }
0x8b: {  	s0 =	sand.u32 $0x1, s1  }
0x8c: {  	s16 =	sshll.u32 s0, $0xA;
	s2 =	sadd.s32 s3, s2  }
0x8d: {  	s2 =	sadd.s32 s2, s16  }
0x8e: {  	[smem:$0x3FBD] =	sst s2  }
0x8f: {  	_ = 	snop  }
0x90: {  	(tm) =	ssettm $0x1  }
0x91: {  	s17 =	sld [smem:$0x3FFB];
	_ =	sdelay $0x3  }
0x92: {  	_ =	strace s17  }
0x93: {  	s2 =	sld [smem:$0x3FFC];
	_ =	sdelay $0x3  }
0x94: {  	_ =	strace s2  }
0x95: {  	s2 =	sld [smem:$0x3FFD];
	_ =	sdelay $0x3  }
0x96: {  	_ =	strace s2  }
0x97: {  	_ =	strace $0x8FFFFFFF  }
0x98: {  	s18 =	sld [smem:$0x3FDB];
	_ =	sdelay $0x1  }
0x99: {  	s19 =	simm.s32 $_scs_section_size  }
0x9a: {  	s4 =	simm.s32 $_size__tile_overlayer_lowered;
	s5 =	simm.s32 $_tile_overlayer_lowered  }
0x9b: {  	s22 =	simm.s32 $0x1BFF;
	s21 =	sshll.u32 s5, $0x1;
	s2 =	sadd.s32 s19, s18  }
0x9c: {  	s6 =	simm.s32 $0x0;
	s20 =	sshll.u32 s4, $0x1;
	s4 =	sadd.s32 s21, s2  }
0x9d: {  	[timem:s6], [sflag:s22] =	dma.local [hbm:s4], s20  }
0x9e: {  	_ =	swait.ge [sflag:s22], s20  }
0x9f: {  	s3 =	ssub.s32 $0x0, s20;
	[sflag:s22] =	ssyncset.done $0x0  }
0xa0: {  	[sflag:s22] =	ssyncadd.s32 s3;
	_ =	sdelay $0x1  }
0xa1: {  	s23 =	simm.s32 $0x1B8B  }
0xa2: {  	_ =	swait.ge [sflag:s23], $0x1  }
0xa3: {  	[sflag:s23] =	ssyncset.done $0x0  }
0xa4: {  	s25 =	simm.s32 $0x1B8E;
	s24 =	sld [smem:$0x3FFE];
	[sflag:s23] =	ssyncadd.s32 $0xFFFFFFFF  }
0xa5: {  	s26 =	simm.s32 $execute0_lowered;
	[smem:$0x3FD2] =	sst s25  }
0xa6: {  	s4 =	sshll.u32 s26, $0x1;
	_ =	strace $0x8000004C;
	[dreg:$0x1] =	wrdreg $0xFFFFFFFF  }
0xa7: {  	s28 =	simm.s32 $_size_execute0_lowered;
	s2 =	sadd.s32 s2, s4;
	[dreg:$0x0] =	wrdreg $0x0  }
0xa8: {  	s4 =	sshll.u32 s28, $0x1;
	[dreg:$0x2] =	wrdreg s2  }
0xa9: {  	[dreg:$0x3] =	wrdreg s4  }
0xaa: {  	[dreg:$0x4] =	wrdreg $0xC0  }
0xab: {  	_ =	task [dreg:s6], $0x5FFFF  }
0xac: {  	[dreg:$0x1] =	wrdreg $0xFFFFFFFF  }
0xad: {  	[dreg:$0x0] =	wrdreg $0x60  }
0xae: {  	[dreg:$0x2] =	wrdreg s24  }
0xaf: {  	[dreg:$0x3] =	wrdreg $0x9  }
0xb0: {  	_ =	task.clear_ibuf [dreg:s6], $0x4FFFF;
	_ =	strace $0x9000004C  }
0xb1: {  	s29 =	simm.s32 $0x9;
	_ =	strace $0x8000004E  }
0xb2: {  	_ =	swait.ge [sflag:s29], $0x1  }
0xb3: {  	[sflag:s29] =	ssyncadd.s32 $0xFFFFFFFF  }
0xb4: {  	_ =	strace $0x9000004E  }
0xb5: {  	_ =	sfence  }
0xb6: {  	s30 =	sld [smem:$0x0];
	_ =	sdelay $0x2  }
0xb7: {  	s31 =	sshll.u32 s1, $0xD;
	s1 =	sshrl.u32 s1, $0x2  }
0xb8: {  	s3 =	sand.u32 $0x4000, s31;
	s1 =	sadd.s32 s1, s30  }
0xb9: {  	s0 =	sor.u32 s3, s0;
	s1 =	sshll.u32 s1, $0x11  }
0xba: {  	s0 =	sor.u32 s1, s0  }
0xbb: {  	s0 =	sadd.s32 $0x8F2B, s0  }
0xbc: {  	[sflag:s0] =	ssyncadd.remote.s32 $0x1  }
0xbd: {  	_ =	sfence.sel $0xFFFF  }
0xbe: {  	[dreg:$0x0] =	wrdreg $0xFFFFFFFF;
	(pc) =	sbr.abs _section_cstart, $3  }
0xbf: {  	[dreg:$0x1] =	wrdreg $0xFFFFFFFF  }
0xc0: {  	_ =	task.clear_ibuf [dreg:s6], $0x2FFFF;
	_ =	strace $0x9FFFFFFF  }
0xc1: {  	(tm) =	ssettm $0x7FFFFFFF  }
tec
execute0_lowered:
.L_overlay_start_1:
0x0: {  	(tag) =	ssettag $0x1  }
0x1: {  	s9 =	rddreg [dreg:$0x0]  }
0x2: {  	s0 =	rddreg [dreg:$0x1]  }
0x3: {  	s1 =	simm.s32 $0x0;
	s5 =	srdreg.scid;
	s2 =	stileid.u32  }
0x4: {  	s15 =	simm.s32 $0x80;
	s16 =	simm.s32 $0x100;
	s17 =	simm.s32 $0x900  }
0x5: {  	s18 =	simm.s32 $0x1100;
	s19 =	simm.s32 $0x1900;
	s20 =	simm.s32 $0x2100  }
0x6: {  	s21 =	simm.s32 $0x2900;
	s22 =	simm.s32 $0x3100;
	s23 =	simm.s32 $0x3900  }
0x7: {  	s24 =	simm.s32 $0x0;
	[smem:$0x7FF] =	sst s1;
	s3 =	sadd.s32 $0xA00, s9  }
0x8: {  	s4 =	sadd.s32 $0xE00, s9;
	s10 =	sand.u32 $0x1, s5;
	s5 =	sadd.s32 $0x10A00, s9  }
0x9: {  	s6 =	sshll.u32 s2, $0xC;
	s8 =	sshll.u32 s2, $0x1;
	s31 =	sshll.u32 s2, $0x5  }
0xa: {  	_ =	strace $0x8000004D;
	s7 =	ssub.s32 $0x2, s10;
	s11 =	sadd.s32 s6, s9  }
.Ltmp0:
0xb: {  	s6 =	sor.u32 s10, s8;
	s8 =	sadd.s32 $0x10C00, s9;
	(pc) =	sbr.rel .LBB2_1-.Ltmp0, $4  }
0xc: {  	s13 =	sshll.u32 s10, $0xB;
	s14 =	sshll.u32 s10, $0x4;
	s30 =	sshrl.u32 s7, $0x1  }
0xd: {  	v2 =	vlaneseq.u32;
	s11 =	sadd.s32 s13, s11;
	s13 =	simm.s32 $0x2;
	s12 =	ssub.s32 s7, s30  }
0xe: {  	vm0 =	vmmov $0xffff;
	v1 =	vshrl.u32 v2, $0x3;
	s7 =	sadd.s32 $0x10B00, s9;
	s9 =	sadd.s32 $0x10D00, s9;
	s11 =	sadd.s32 $0x90A00, s11  }
0xf: {  	v0 =	vand.u32 $0x7, v2;
	v2 =	vor.u32 $0x8, v2;
	v1 =	vmul.u32 $0x8, v1;
	s10 =	smax.u32 s12, $0x1;
	s12 =	sor.u32 s14, s31;
	s14 =	simm.s32 $0x1  }
.LBB2_3:
0x10: {  	s25 =	smov.u32 s11  }
.LBB2_7:
0x11: {  	s26 =	sadd.s32 s3, s29;
	[sflag:s13] =	ssyncadd.s32 @p0 $0xFFFFC000  }
0x12: {  	[tilespmem:s15], [sflag:$0x2] =	stream.linear.gather [hbm4b:s26+s1], $0x10, $0x38;
	[tilespmem:$0x4100] =	vst v63  }
0x13: {  	_ =	swait.ge [sflag:s13], $0x10  }
0x14: {  	[sflag:s13] =	ssyncset.done $0x0  }
0x15: {  	[sflag:s13] =	ssyncadd.s32 $0xFFFFFFF0  }
0x16: {  	v3 =	vld [tilespmem:$0x80];
	_ =	sdelay $0x4  }
0x17: {  	v4 =	vshll.u32 v3, $0x3  }
0x18: {  	v3 =	vand.u32 $0x7, v3;
	v4 =	vand.u32 $0xFFFFFFC0, v4  }
0x19: {  	v3 =	vor.u32 v3, v4  }
0x1a: {  	v4 =	vperm.xlane v3, v0;
	_ =	sdelay $0x1  }
0x1b: {  	v4 =	vadd.s32 v1, v4;
	_ =	sdelay $0x4  }
0x1c: {  	[tilespmem:s16], [sflag:$0x1] =	stream.indirect_vreg.gather [hbm4b:s5+s1], $0x80, v4, vm0, $0xb8;
	[tilespmem:$0x4100] =	vst v63  }
0x1d: {  	v3 =	vperm.xlane v3, v2  }
0x1e: {  	[tilespmem:s17], [sflag:$0x1] =	stream.indirect_vreg.gather [hbm4b:s7+s1], $0x80, v4, vm0, $0xb8;
	[tilespmem:$0x4100] =	vst v63  }
0x1f: {  	v3 =	vadd.s32 v1, v3  }
0x20: {  	[tilespmem:s18], [sflag:$0x1] =	stream.indirect_vreg.gather [hbm4b:s8+s1], $0x80, v4, vm0, $0xb8;
	[tilespmem:$0x4100] =	vst v63  }
0x21: {  	_ = 	snop  }
0x22: {  	[tilespmem:s19], [sflag:$0x1] =	stream.indirect_vreg.gather [hbm4b:s9+s1], $0x80, v4, vm0, $0xb8;
	[tilespmem:$0x4100] =	vst v63  }
0x23: {  	_ = 	snop  }
0x24: {  	[tilespmem:s20], [sflag:$0x1] =	stream.indirect_vreg.gather [hbm4b:s5+s1], $0x80, v3, vm0, $0xb8;
	[tilespmem:$0x4100] =	vst v63  }
0x25: {  	_ = 	snop  }
0x26: {  	[tilespmem:s21], [sflag:$0x1] =	stream.indirect_vreg.gather [hbm4b:s7+s1], $0x80, v3, vm0, $0xb8;
	[tilespmem:$0x4100] =	vst v63  }
0x27: {  	_ = 	snop  }
0x28: {  	[tilespmem:s22], [sflag:$0x1] =	stream.indirect_vreg.gather [hbm4b:s8+s1], $0x80, v3, vm0, $0xb8;
	[tilespmem:$0x4100] =	vst v63  }
0x29: {  	_ = 	snop  }
0x2a: {  	[tilespmem:s23], [sflag:$0x1] =	stream.indirect_vreg.gather [hbm4b:s9+s1], $0x80, v3, vm0, $0xb8;
	[tilespmem:$0x4100] =	vst v63  }
0x2b: {  	_ =	swait.ge [sflag:s14], $0x4000  }
0x2c: {  	s25 =	sadd.s32 @p0 $0x10000, s25;
	s26 =	smov.u32 s11;
	[sflag:s14] =	ssyncset.done $0x0  }
0x2d: {  	s26 =	smov.u32 @p0 s25;
	[sflag:s14] =	ssyncadd.s32 $0xFFFFC000  }
0x2e: {  	[hbm4b:s26+s1] =	stream.linear.scatter [tilespmem:s16], [sflag:$0x2], $0x4000, $0x38;
	[tilespmem:$0x4100] =	vst v63  }
0x2f: {  	_ =	swait.ge [sflag:s13], $0x4000  }
0x30: {  	[sflag:s13] =	ssyncset.done $0x0  }
0x31: {  	[sflag:s13] =	ssyncadd.s32 $0xFFFFC000  }
.LBB2_8:
0x32: {  	s24 =	sadd.s32 $0x1, s24  }
0x33: {  	p0 =	sne.s32 s24, s10  }
.Ltmp1:
0x34: {  	_ = 	snop;
	(pc) =	sbr.rel @!p0 .LBB2_9-.Ltmp1, $1  }
0x35: {  	_ =	sdelay $0x3  }
.LBB2_1:
0x36: {  	[tilespmem:s1], [sflag:$0x2] =	stream.linear.gather [hbm4b:s4+s1], $0x80, $0x38;
	[tilespmem:$0x4100] =	vst v63  }
0x37: {  	_ =	swait.ge [sflag:s13], $0x80  }
0x38: {  	[sflag:s13] =	ssyncset.done $0x0  }
0x39: {  	[sflag:s13] =	ssyncadd.s32 $0xFFFFFF80  }
0x3a: {  	v3 =	vld [tilespmem:$0x0];
	_ =	sdelay $0x4  }
0x3b: {  	v3 =	vxor.u32 $0x80000000, v3  }
0x3c: {  	(xrf0) =	vmax.scan.msk.u32 $0xffff, v3;
	_ =	sdelay $0x5  }
0x3d: {  	v3, _, _ =	vpop (xrf0)  }
0x3e: {  	(v2sf) =	vpush v3, $0xF;
	_ =	sdelay $0xe  }
0x3f: {  	s25 =	spop (v2sf)  }
0x40: {  	s25 =	sadd.s32 $0x8000000F, s25  }
0x41: {  	s26 =	sshra.s32 s25, $0x1F;
	s28 =	sand.u32 $0xF, s25  }
0x42: {  	p0 =	slt.s32 s25, $0x1;
	s26 =	sshrl.u32 s26, $0x1C;
	p1 =	sne.s32 s28, $0x0  }
0x43: {  	s25 =	sadd.s32 s26, s25;
	p0 =	por !p0, !p1  }
0x44: {  	s26 =	simm.s32 $0x1;
	s25 =	sshra.s32 s25, $0x4;
	p0 =	por !p0, !p0  }
0x45: {  	s25 =	ssub.s32 s25, s6;
	s26 =	simm.s32 @!p0 $0x0  }
0x46: {  	s25 =	ssub.s32 s25, s26  }
0x47: {  	s26 =	sadd.s32 $0x1F, s25  }
0x48: {  	s30 =	sand.u32 $0x1F, s26  }
0x49: {  	p5 =	slt.s32 s25, $0xFFFFFFE2;
	s31 =	sshra.s32 s26, $0x1F;
	p6 =	sne.s32 s30, $0x0  }
0x4a: {  	s25 =	sshrl.u32 s31, $0x1B;
	p0 =	por !p5, !p6  }
0x4b: {  	s25 =	sadd.s32 s25, s26;
	s26 =	simm.s32 $0x1;
	p0 =	por !p0, !p0  }
0x4c: {  	s25 =	sshra.s32 s25, $0x5;
	s26 =	simm.s32 @!p0 $0x0  }
0x4d: {  	s25 =	ssub.s32 s25, s26  }
0x4e: {  	p0 =	slt.s32 s25, $0x1  }
.Ltmp2:
0x4f: {  	_ = 	snop;
	(pc) =	sbr.rel @p0 .LBB2_8-.Ltmp2, $1  }
0x50: {  	_ =	sdelay $0x3  }
0x51: {  	p1 =	sne.s32 s25, $0x1  }
.Ltmp3:
0x52: {  	_ = 	snop;
	(pc) =	sbr.rel @!p1 .LBB2_3-.Ltmp3, $2  }
0x53: {  	_ =	sdelay $0x2  }
0x54: {  	s25 =	sadd.s32 $0xFFFFFFFF, s25;
	s29 =	sshrl.u32 s12, $0x3;
	p0 =	por $0x0, $0x0  }
0x55: {  	s26 =	sadd.s32 s3, s29  }
0x56: {  	[tilespmem:s15], [sflag:$0x2] =	stream.linear.gather [hbm4b:s26+s1], $0x10, $0x38;
	[tilespmem:$0x4100] =	vst v63  }
0x57: {  	_ =	swait.ge [sflag:s13], $0x10  }
0x58: {  	[sflag:s13] =	ssyncset.done $0x0  }
0x59: {  	[sflag:s13] =	ssyncadd.s32 $0xFFFFFFF0  }
0x5a: {  	v3 =	vld [tilespmem:$0x80];
	_ =	sdelay $0x4  }
0x5b: {  	v4 =	vshll.u32 v3, $0x3  }
0x5c: {  	v3 =	vand.u32 $0x7, v3;
	v4 =	vand.u32 $0xFFFFFFC0, v4  }
0x5d: {  	v3 =	vor.u32 v3, v4  }
0x5e: {  	v4 =	vperm.xlane v3, v0;
	_ =	sdelay $0x1  }
0x5f: {  	v4 =	vadd.s32 v1, v4;
	_ =	sdelay $0x4  }
0x60: {  	[tilespmem:s16], [sflag:$0x1] =	stream.indirect_vreg.gather [hbm4b:s5+s1], $0x80, v4, vm0, $0xb8;
	[tilespmem:$0x4100] =	vst v63  }
0x61: {  	v3 =	vperm.xlane v3, v2  }
0x62: {  	[tilespmem:s17], [sflag:$0x1] =	stream.indirect_vreg.gather [hbm4b:s7+s1], $0x80, v4, vm0, $0xb8;
	[tilespmem:$0x4100] =	vst v63  }
0x63: {  	v3 =	vadd.s32 v1, v3  }
0x64: {  	[tilespmem:s18], [sflag:$0x1] =	stream.indirect_vreg.gather [hbm4b:s8+s1], $0x80, v4, vm0, $0xb8;
	[tilespmem:$0x4100] =	vst v63  }
0x65: {  	_ = 	snop  }
0x66: {  	[tilespmem:s19], [sflag:$0x1] =	stream.indirect_vreg.gather [hbm4b:s9+s1], $0x80, v4, vm0, $0xb8;
	[tilespmem:$0x4100] =	vst v63  }
0x67: {  	_ = 	snop  }
0x68: {  	[tilespmem:s20], [sflag:$0x1] =	stream.indirect_vreg.gather [hbm4b:s5+s1], $0x80, v3, vm0, $0xb8;
	[tilespmem:$0x4100] =	vst v63  }
0x69: {  	_ = 	snop  }
0x6a: {  	[tilespmem:s21], [sflag:$0x1] =	stream.indirect_vreg.gather [hbm4b:s7+s1], $0x80, v3, vm0, $0xb8;
	[tilespmem:$0x4100] =	vst v63  }
0x6b: {  	_ = 	snop  }
0x6c: {  	[tilespmem:s22], [sflag:$0x1] =	stream.indirect_vreg.gather [hbm4b:s8+s1], $0x80, v3, vm0, $0xb8;
	[tilespmem:$0x4100] =	vst v63  }
0x6d: {  	_ = 	snop  }
0x6e: {  	[tilespmem:s23], [sflag:$0x1] =	stream.indirect_vreg.gather [hbm4b:s9+s1], $0x80, v3, vm0, $0xb8;
	[tilespmem:$0x4100] =	vst v63  }
0x6f: {  	p1 =	sne.s32 s25, $0x1;
	_ =	swait.ge [sflag:s14], $0x4000  }
.Ltmp4:
0x70: {  	[sflag:s14] =	ssyncset.done $0x0;
	(pc) =	sbr.rel @!p1 .LBB2_5-.Ltmp4, $4  }
0x71: {  	s28 =	sadd.s32 $0x200, s12;
	[sflag:s14] =	ssyncadd.s32 $0xFFFFC000  }
0x72: {  	[hbm4b:s11+s1] =	stream.linear.scatter [tilespmem:s16], [sflag:$0x2], $0x4000, $0x38;
	[tilespmem:$0x4100] =	vst v63  }
0x73: {  	p0 =	por $0x1, $0x1;
	s26 =	sadd.s32 $0xFFFFFFFF, s25;
	_ =	swait.ge [sflag:s13], $0x4000  }
0x74: {  	s29 =	sshrl.u32 s28, $0x3;
	s25 =	smov.u32 s11;
	[sflag:s13] =	ssyncset.done $0x0  }
.LBB2_6:
0x75: {  	s29 =	sadd.s32 s3, s29;
	[sflag:s13] =	ssyncadd.s32 $0xFFFFC000;
	s25 =	sadd.s32 $0x10000, s25  }
0x76: {  	[tilespmem:s15], [sflag:$0x2] =	stream.linear.gather [hbm4b:s29+s1], $0x10, $0x38;
	[tilespmem:$0x4100] =	vst v63  }
0x77: {  	p1 =	sne.s32 s26, $0x1;
	s26 =	sadd.s32 $0xFFFFFFFF, s26;
	_ =	swait.ge [sflag:s13], $0x10  }
0x78: {  	[sflag:s13] =	ssyncset.done $0x0  }
0x79: {  	[sflag:s13] =	ssyncadd.s32 $0xFFFFFFF0  }
0x7a: {  	v3 =	vld [tilespmem:$0x80];
	_ =	sdelay $0x4  }
0x7b: {  	v4 =	vshll.u32 v3, $0x3  }
0x7c: {  	v3 =	vand.u32 $0x7, v3;
	v4 =	vand.u32 $0xFFFFFFC0, v4  }
0x7d: {  	v3 =	vor.u32 v3, v4  }
0x7e: {  	v4 =	vperm.xlane v3, v0;
	v3 =	vperm.xlane v3, v2;
	_ =	sdelay $0x1  }
0x7f: {  	v4 =	vadd.s32 v1, v4;
	_ =	sdelay $0x4  }
0x80: {  	[tilespmem:s16], [sflag:$0x1] =	stream.indirect_vreg.gather [hbm4b:s5+s1], $0x80, v4, vm0, $0xb8;
	[tilespmem:$0x4100] =	vst v63  }
0x81: {  	_ = 	snop  }
0x82: {  	[tilespmem:s17], [sflag:$0x1] =	stream.indirect_vreg.gather [hbm4b:s7+s1], $0x80, v4, vm0, $0xb8;
	[tilespmem:$0x4100] =	vst v63  }
0x83: {  	v3 =	vadd.s32 v1, v3  }
0x84: {  	[tilespmem:s18], [sflag:$0x1] =	stream.indirect_vreg.gather [hbm4b:s8+s1], $0x80, v4, vm0, $0xb8;
	[tilespmem:$0x4100] =	vst v63  }
0x85: {  	_ = 	snop  }
0x86: {  	[tilespmem:s19], [sflag:$0x1] =	stream.indirect_vreg.gather [hbm4b:s9+s1], $0x80, v4, vm0, $0xb8;
	[tilespmem:$0x4100] =	vst v63  }
0x87: {  	_ = 	snop  }
0x88: {  	[tilespmem:s20], [sflag:$0x1] =	stream.indirect_vreg.gather [hbm4b:s5+s1], $0x80, v3, vm0, $0xb8;
	[tilespmem:$0x4100] =	vst v63  }
0x89: {  	_ = 	snop  }
0x8a: {  	[tilespmem:s21], [sflag:$0x1] =	stream.indirect_vreg.gather [hbm4b:s7+s1], $0x80, v3, vm0, $0xb8;
	[tilespmem:$0x4100] =	vst v63  }
0x8b: {  	_ = 	snop  }
0x8c: {  	[tilespmem:s22], [sflag:$0x1] =	stream.indirect_vreg.gather [hbm4b:s8+s1], $0x80, v3, vm0, $0xb8;
	[tilespmem:$0x4100] =	vst v63  }
0x8d: {  	_ = 	snop  }
0x8e: {  	[tilespmem:s23], [sflag:$0x1] =	stream.indirect_vreg.gather [hbm4b:s9+s1], $0x80, v3, vm0, $0xb8;
	[tilespmem:$0x4100] =	vst v63  }
0x8f: {  	_ =	swait.ge [sflag:s14], $0x4000  }
.Ltmp5:
0x90: {  	[sflag:s14] =	ssyncset.done $0x0;
	(pc) =	sbr.rel @p1 .LBB2_6-.Ltmp5, $4  }
0x91: {  	[sflag:s14] =	ssyncadd.s32 $0xFFFFC000  }
0x92: {  	[hbm4b:s25+s1] =	stream.linear.scatter [tilespmem:s16], [sflag:$0x2], $0x4000, $0x38;
	[tilespmem:$0x4100] =	vst v63  }
0x93: {  	s28 =	sadd.s32 $0x200, s28;
	_ =	swait.ge [sflag:s13], $0x4000  }
0x94: {  	s29 =	sshrl.u32 s28, $0x3;
	[sflag:s13] =	ssyncset.done $0x0  }
.Ltmp6:
0x95: {  	_ = 	snop;
	(pc) =	sbr.rel .LBB2_7-.Ltmp6, $1  }
0x96: {  	_ =	sdelay $0x3  }
.LBB2_5:
.Ltmp7:
0x97: {  	(pc) =	sbr.rel .LBB2_7-.Ltmp7, $2  }
0x98: {  	_ =	sdelay $0x2  }
0x99: {  	s25 =	smov.u32 s11  }
.LBB2_9:
0x9a: {  	_ =	sfence.sel $0x180000  }
0x9b: {  	[bflag:$0x0] =	sbarrier.arrive $0xFFFF  }
0x9c: {  	p0 =	sne.s32 s2, $0x0;
	_ =	strace $0x9000004D  }
0x9d: {  	s0 =	sadd.s32 @!p0 $0x100000, s0;
	[bflag:$0x2] =	sbarrier.arrive $0xFFFF  }
0x9e: {  	[sflag:s0] =	ssyncadd.tile.s32 @!p0 $0x1;
	_ =	shalt  }
.Lfunc_end2:
_tile_overlayer_lowered:
.L_overlay_start_2:
0x9f: {  	(tag) =	ssettag $0x2  }
0xa0: {  	s0 =	rddreg [dreg:$0x0];
	s2 =	stileid.u32  }
0xa1: {  	s1 =	rddreg [dreg:$0x1];
	p0 =	sne.s32 s2, $0x0  }
0xa2: {  	s3 =	rddreg [dreg:$0x2];
	[bflag:$0x3] =	sbarrier.arrive $0xFFFF;
	s2 =	simm.s32 @!p0 $0x1C02  }
0xa3: {  	[timem:s3], [sflag:s2] =	dma.local @!p0 [hbm:s0], s1  }
0xa4: {  	s0 =	simm.s32 @!p0 $0x2  }
0xa5: {  	_ =	swait.ge @!p0 [sflag:s0], s1  }
0xa6: {  	s1 =	ssub.s32 @!p0 $0x0, s1;
	[sflag:s0] =	ssyncset.done @!p0 $0x0  }
0xa7: {  	[sflag:s0] =	ssyncadd.s32 @!p0 s1  }
0xa8: {  	[bflag:$0x3] =	sbarrier.arrive $0xFFFF  }
0xa9: {  	_ =	shalt  }

// kernel: kernel.8.cloned.1.call-start
scs
__scs_entry_jumppad:
0x0: {  	(pc) =	sbr.rel $0x88, $3  }
0x1: {  	(tag) =	ssettag $0x0;
	lr =	simm.s32 $0x1  }
0x2: {  	[smem:$0x3F96] =	sst lr;
	_ =	strace $0xD0000000  }
0x3: {  	_ = 	snop  }
0x4: {  	_ = 	snop  }
0x5: {  	_ = 	snop  }
0x6: {  	_ = 	snop  }
0x7: {  	_ = 	snop  }
__scs_overlays_trampoline_lowered:
0x8: {  	[smem:$0x3FA5] =	sst s0  }
0x9: {  	[smem:$0x3FA6] =	sst s1  }
0xa: {  	[smem:$0x3FA7] =	sst s2  }
0xb: {  	[smem:$0x3FA8] =	sst s3  }
0xc: {  	[smem:$0x3FA9] =	sst s4  }
0xd: {  	[smem:$0x3FAA] =	sst s5  }
0xe: {  	[smem:$0x3FAB] =	sst s6  }
0xf: {  	[smem:$0x3FAC] =	sst s7  }
0x10: {  	[smem:$0x3FAD] =	sst s8  }
0x11: {  	[smem:$0x3FAE] =	sst s9;
	s0 =	simm.s32 @!p0 $0x0  }
0x12: {  	s1 =	sld [smem:$0x3F94];
	s0 =	simm.s32 @p0 $0x1  }
0x13: {  	[smem:$0x3FAF] =	sst s0;
	s0 =	simm.s32 @!p1 $0x0  }
0x14: {  	s2 =	sld [smem:$0x3F93];
	s0 =	simm.s32 @p1 $0x1  }
0x15: {  	[smem:$0x3FB0] =	sst s0;
	s0 =	simm.s32 @!p2 $0x0  }
0x16: {  	s3 =	sld [smem:$0x3FDB];
	s0 =	simm.s32 @p2 $0x1  }
0x17: {  	s4 =	simm.s32 $0x1BF5;
	[smem:$0x3FB2] =	sst s0  }
0x18: {  	s0 =	sld [smem:$0x3F95];
	_ =	swait.ge [sflag:s4], $0x0  }
0x19: {  	s7 =	sld [smem:$0x3F96]  }
0x1a: {  	s8 =	sadd.s32 $0xFFFFE003, lr  }
0x1b: {  	s9 =	sadd.s32 $0xFFFFFEF7, lr;
	s5 =	simm.s32 $0xFFFFFFFF;
	p2 =	slt.u32 s8, $0xFFFFF086  }
0x1c: {  	p1 =	slt.u32 s9, $0xF7A;
	s5 =	simm.s32 @!p2 $0x0  }
0x1d: {  	s5 =	simm.s32 @p1 $0x1;
	p0 =	seq.s32 s7, s2  }
0x1e: {  	s7 =	smul.u32 @!p0 $0xF7A, s2;
	p2 =	seq.s32 @!p0 s5, $0x0  }
0x1f: {  	s9 =	smul.u32 $0xF7A, s1;
	s8 =	simm.s32 @!p0 $0x1BF5;
	p2 =	por !p2, p0  }
0x20: {  	[sflag:s8] =	ssyncset.s32 @!p0 $0xFFFFF086;
	s6 =	sadd.s32 @!p0 s3, s7;
	s7 =	simm.s32 @!p0 $0x108  }
0x21: {  	s3 =	sadd.s32 s3, s9;
	s6 =	sadd.s32 @!p0 $0x88, s6;
	s7 =	simm.s32 @p2 $0x1082  }
0x22: {  	[simem:s7], [sflag:s8] =	dma.local @!p0 [hbm:s6], $0xF7A  }
0x23: {  	s9 =	sor.u32 $0xD0000000, s2;
	s6 =	simm.s32 $0x108;
	_ =	swait.ge @!p0 [sflag:s8], $0x0  }
0x24: {  	s3 =	sadd.s32 $0x88, s3;
	s6 =	simm.s32 @!p1 $0x1082;
	[sflag:s4] =	ssyncset.s32 $0xFFFFF086  }
0x25: {  	[simem:s6], [sflag:s4] =	dma.local [hbm:s3], $0xF7A  }
0x26: {  	[smem:$0x3F96] =	sst s1;
	(tag) =	ssettag s2;
	_ =	strace s9  }
0x27: {  	s1 =	sld [smem:$0x3FA6]  }
0x28: {  	s2 =	sld [smem:$0x3FA7]  }
0x29: {  	s4 =	sld [smem:$0x3FA9]  }
0x2a: {  	p0 =	seq.s32 s5, $0x0;
	s5 =	sld [smem:$0x3FAA]  }
0x2b: {  	s6 =	sld [smem:$0x3FAB]  }
0x2c: {  	s7 =	sld [smem:$0x3FAC]  }
0x2d: {  	s3 =	simm.s32 $0x108;
	s8 =	sld [smem:$0x3FAD]  }
0x2e: {  	s3 =	simm.s32 @!p0 $0x1082;
	s9 =	sld [smem:$0x3FAE]  }
0x2f: {  	lr =	sadd.s32 s0, s3;
	s0 =	sld [smem:$0x3FA5]  }
0x30: {  	s3 =	sld [smem:$0x3FA8]  }
0x31: {  	[smem:$0x3FB1] =	sst s10  }
0x32: {  	s10 =	sld [smem:$0x3FAF];
	_ =	sdelay $0x3  }
0x33: {  	p0 =	seq.s32 s10, $0x1;
	s10 =	sld [smem:$0x3FB1];
	_ =	sdelay $0x3  }
0x34: {  	[smem:$0x3FB1] =	sst s10  }
0x35: {  	s10 =	sld [smem:$0x3FB0];
	_ =	sdelay $0x3  }
0x36: {  	p1 =	seq.s32 s10, $0x1;
	s10 =	sld [smem:$0x3FB1];
	_ =	sdelay $0x3  }
0x37: {  	[smem:$0x3FB1] =	sst s10  }
0x38: {  	s10 =	sld [smem:$0x3FB2]  }
0x39: {  	_ = 	snop;
	(pc) =	sbr.ind lr, $3  }
0x3a: {  	_ = 	snop  }
0x3b: {  	_ = 	snop  }
0x3c: {  	p2 =	seq.s32 s10, $0x1;
	s10 =	sld [smem:$0x3FB1]  }
0x3d: {  	_ =	shalt  }
0x3e: {  	_ =	shalt  }
0x3f: {  	_ =	shalt  }
0x40: {  	_ =	shalt  }
0x41: {  	_ =	shalt  }
0x42: {  	_ =	shalt  }
0x43: {  	_ =	shalt  }
0x44: {  	_ =	shalt  }
0x45: {  	_ =	shalt  }
0x46: {  	_ =	shalt  }
0x47: {  	_ =	shalt  }
0x48: {  	_ =	shalt  }
0x49: {  	_ =	shalt  }
0x4a: {  	_ =	shalt  }
0x4b: {  	_ =	shalt  }
0x4c: {  	_ =	shalt  }
0x4d: {  	_ =	shalt  }
0x4e: {  	_ =	shalt  }
0x4f: {  	_ =	shalt  }
0x50: {  	_ =	shalt  }
0x51: {  	_ =	shalt  }
0x52: {  	_ =	shalt  }
0x53: {  	_ =	shalt  }
0x54: {  	_ =	shalt  }
0x55: {  	_ =	shalt  }
0x56: {  	_ =	shalt  }
0x57: {  	_ =	shalt  }
0x58: {  	_ =	shalt  }
0x59: {  	_ =	shalt  }
0x5a: {  	_ =	shalt  }
0x5b: {  	_ =	shalt  }
0x5c: {  	_ =	shalt  }
0x5d: {  	_ =	shalt  }
0x5e: {  	_ =	shalt  }
0x5f: {  	_ =	shalt  }
0x60: {  	_ =	shalt  }
0x61: {  	_ =	shalt  }
0x62: {  	_ =	shalt  }
0x63: {  	_ =	shalt  }
0x64: {  	_ =	shalt  }
0x65: {  	_ =	shalt  }
0x66: {  	_ =	shalt  }
0x67: {  	_ =	shalt  }
0x68: {  	_ =	shalt  }
0x69: {  	_ =	shalt  }
0x6a: {  	_ =	shalt  }
0x6b: {  	_ =	shalt  }
0x6c: {  	_ =	shalt  }
0x6d: {  	_ =	shalt  }
0x6e: {  	_ =	shalt  }
0x6f: {  	_ =	shalt  }
0x70: {  	_ =	shalt  }
0x71: {  	_ =	shalt  }
0x72: {  	_ =	shalt  }
0x73: {  	_ =	shalt  }
0x74: {  	_ =	shalt  }
0x75: {  	_ =	shalt  }
0x76: {  	_ =	shalt  }
0x77: {  	_ =	shalt  }
0x78: {  	_ =	shalt  }
0x79: {  	_ =	shalt  }
0x7a: {  	_ =	shalt  }
0x7b: {  	_ =	shalt  }
0x7c: {  	_ =	shalt  }
0x7d: {  	_ =	shalt  }
0x7e: {  	_ =	shalt  }
0x7f: {  	_ =	shalt  }
0x80: {  	_ =	shalt  }
0x81: {  	_ =	shalt  }
0x82: {  	_ =	shalt  }
0x83: {  	_ =	shalt  }
0x84: {  	_ =	shalt  }
0x85: {  	_ =	shalt  }
0x86: {  	_ =	shalt  }
0x87: {  	_ =	shalt  }
.Lfunc_end0:
.L_simem_size_0:
called_computation_lowered:
.L_overlay_start_0:
0x88: {  	s2 =	sld [smem:$0x3FD9]  }
0x89: {  	s3 =	sld [smem:$0x3FFE];
	_ =	sdelay $0x1  }
0x8a: {  	s1 =	srdreg.scid  }
0x8b: {  	s0 =	sand.u32 $0x1, s1  }
0x8c: {  	s14 =	sshll.u32 s0, $0xA;
	s2 =	sadd.s32 s3, s2  }
0x8d: {  	s2 =	sadd.s32 s2, s14  }
0x8e: {  	[smem:$0x3FBD] =	sst s2  }
0x8f: {  	_ = 	snop  }
0x90: {  	s2 =	sld [smem:$0x3FD0];
	_ =	sdelay $0x2  }
0x91: {  	s4 =	simm.s32 $0xA;
	s5 =	simm.s32 $0x10;
	s15 =	sld [smem:$0x3FC8]  }
0x92: {  	[smem:s5], [sflag:s4] =	dma.local [hbm:s2], $0x1  }
0x93: {  	_ =	swait.eq [sflag:s4], $0x1  }
0x94: {  	[sflag:s4] =	ssyncset.done $0x0  }
0x95: {  	[sflag:s4] =	ssyncadd.s32 $0xFFFFFFFF  }
0x96: {  	s16 =	sld [smem:$0x10];
	(tm) =	ssettm $0x1  }
0x97: {  	s17 =	sld [smem:$0x3FFB];
	_ =	sdelay $0x3  }
0x98: {  	_ =	strace s17  }
0x99: {  	s4 =	sld [smem:$0x3FFC];
	_ =	sdelay $0x3  }
0x9a: {  	_ =	strace s4  }
0x9b: {  	s4 =	sld [smem:$0x3FFD];
	_ =	sdelay $0x3  }
0x9c: {  	_ =	strace s4  }
0x9d: {  	_ =	strace $0x8FFFFFFF  }
0x9e: {  	s18 =	sld [smem:$0x3FDB];
	_ =	sdelay $0x1  }
0x9f: {  	s19 =	simm.s32 $_scs_section_size  }
0xa0: {  	s6 =	simm.s32 $_size__tile_overlayer_lowered;
	s7 =	simm.s32 $_tile_overlayer_lowered  }
0xa1: {  	s22 =	simm.s32 $0x1BFF;
	s21 =	sshll.u32 s7, $0x1;
	s4 =	sadd.s32 s19, s18  }
0xa2: {  	s8 =	simm.s32 $0x0;
	s20 =	sshll.u32 s6, $0x1;
	s6 =	sadd.s32 s21, s4  }
0xa3: {  	[timem:s8], [sflag:s22] =	dma.local [hbm:s6], s20  }
0xa4: {  	_ =	swait.ge [sflag:s22], s20  }
0xa5: {  	s5 =	ssub.s32 $0x0, s20;
	[sflag:s22] =	ssyncset.done $0x0  }
0xa6: {  	[sflag:s22] =	ssyncadd.s32 s5;
	_ =	sdelay $0x1  }
0xa7: {  	s23 =	simm.s32 $0x1B8B  }
0xa8: {  	_ =	swait.ge [sflag:s23], $0x1  }
0xa9: {  	[sflag:s23] =	ssyncset.done $0x0  }
0xaa: {  	s25 =	simm.s32 $0x1B8E;
	s24 =	sld [smem:$0x3FFE];
	[sflag:s23] =	ssyncadd.s32 $0xFFFFFFFF  }
0xab: {  	s26 =	simm.s32 $execute0_lowered;
	[smem:$0x3FD2] =	sst s25  }
0xac: {  	s6 =	sshll.u32 s26, $0x1;
	_ =	strace $0x80000046;
	[dreg:$0x1] =	wrdreg $0xFFFFFFFF  }
0xad: {  	s28 =	simm.s32 $_size_execute0_lowered;
	s4 =	sadd.s32 s4, s6;
	[dreg:$0x0] =	wrdreg $0x0  }
0xae: {  	s6 =	sshll.u32 s28, $0x1;
	[dreg:$0x2] =	wrdreg s4  }
0xaf: {  	[dreg:$0x3] =	wrdreg s6  }
0xb0: {  	[dreg:$0x4] =	wrdreg $0xC0  }
0xb1: {  	_ =	task [dreg:s8], $0x5FFFF  }
0xb2: {  	[dreg:$0x1] =	wrdreg $0xFFFFFFFF  }
0xb3: {  	[dreg:$0x0] =	wrdreg $0x60  }
0xb4: {  	[dreg:$0x2] =	wrdreg s24  }
0xb5: {  	[dreg:$0x3] =	wrdreg s15  }
0xb6: {  	[dreg:$0x4] =	wrdreg s16  }
0xb7: {  	[dreg:$0x5] =	wrdreg $0x9  }
0xb8: {  	_ =	task.clear_ibuf [dreg:s8], $0x6FFFF;
	_ =	strace $0x90000046  }
0xb9: {  	s29 =	simm.s32 $0x9;
	_ =	strace $0x80000048  }
0xba: {  	_ =	swait.ge [sflag:s29], $0x1  }
0xbb: {  	[sflag:s29] =	ssyncadd.s32 $0xFFFFFFFF  }
0xbc: {  	_ =	strace $0x90000048  }
0xbd: {  	_ =	sfence  }
0xbe: {  	s30 =	sld [smem:$0x0];
	_ =	sdelay $0x2  }
0xbf: {  	s31 =	sshll.u32 s1, $0xD;
	s1 =	sshrl.u32 s1, $0x2  }
0xc0: {  	s3 =	sand.u32 $0x4000, s31;
	s1 =	sadd.s32 s1, s30  }
0xc1: {  	s0 =	sor.u32 s3, s0;
	s1 =	sshll.u32 s1, $0x11  }
0xc2: {  	s0 =	sor.u32 s1, s0  }
0xc3: {  	s0 =	sadd.s32 $0x8F2B, s0  }
0xc4: {  	[sflag:s0] =	ssyncadd.remote.s32 $0x1  }
0xc5: {  	_ =	sfence.sel $0xFFFF  }
0xc6: {  	[dreg:$0x0] =	wrdreg $0xFFFFFFFF;
	(pc) =	sbr.abs _section_cstart, $3  }
0xc7: {  	[dreg:$0x1] =	wrdreg $0xFFFFFFFF  }
0xc8: {  	_ =	task.clear_ibuf [dreg:s8], $0x2FFFF;
	_ =	strace $0x9FFFFFFF  }
0xc9: {  	(tm) =	ssettm $0x7FFFFFFF  }
tec
execute0_lowered:
.L_overlay_start_1:
0x0: {  	(tag) =	ssettag $0x1  }
0x1: {  	s0 =	rddreg [dreg:$0x0]  }
0x2: {  	s1 =	rddreg [dreg:$0x1]  }
0x3: {  	s2 =	rddreg [dreg:$0x2];
	s3 =	simm.s32 $0x0  }
0x4: {  	s4 =	srdreg.scid;
	s5 =	stileid.u32;
	s28 =	simm.s32 $0x2900  }
0x5: {  	s29 =	simm.s32 $0x3100;
	s30 =	simm.s32 $0x3900;
	s31 =	simm.s32 $0x4100  }
0x6: {  	s10 =	simm.s32 $0x5900;
	s11 =	simm.s32 $0x6100;
	s12 =	simm.s32 $0x6900  }
0x7: {  	s13 =	simm.s32 $0x7100;
	[smem:$0x7FF] =	sst s3;
	s4 =	sand.u32 $0x1, s4  }
0x8: {  	s5 =	sshll.u32 s5, $0x8;
	s0 =	sadd.s32 $0xA00, s0;
	s6 =	sshll.u32 s4, $0x7  }
0x9: {  	_ =	strace $0x80000047;
	s4 =	ssub.s32 $0x2, s4;
	s5 =	sor.u32 s6, s5  }
0xa: {  	s14 =	sshrl.u32 s4, $0x1;
	s7 =	sshrl.u32 s5, $0x3;
	s8 =	sor.u32 $0x20, s5  }
0xb: {  	s9 =	ssub.s32 s4, s14;
	s18 =	sshll.u32 s5, $0x7;
	s19 =	sor.u32 $0x40, s5  }
0xc: {  	s4 =	sadd.s32 $0x100, s1;
	s5 =	sor.u32 $0x60, s5;
	s14 =	simm.s32 $0x7900  }
0xd: {  	s15 =	sadd.s32 s0, s7;
	s16 =	sshrl.u32 s8, $0x3;
	s6 =	sadd.s32 s2, s18  }
0xe: {  	s20 =	sshrl.u32 s19, $0x3;
	s8 =	sshll.u32 s8, $0x7;
	s22 =	sshrl.u32 s5, $0x3  }
0xf: {  	s23 =	sshll.u32 s19, $0x7;
	s25 =	sshll.u32 s5, $0x7;
	s5 =	sadd.s32 $0x200, s1  }
0x10: {  	s7 =	smax.u32 s9, $0x1;
	s19 =	simm.s32 $0x1;
	s9 =	simm.s32 $0x4900  }
0x11: {  	s18 =	simm.s32 $0x9900;
	[dreg:$0x4] =	wrdreg s15;
	s17 =	sadd.s32 s0, s16  }
0x12: {  	[dreg:$0x6] =	wrdreg s6;
	s6 =	sadd.s32 s0, s20;
	s21 =	sadd.s32 s2, s8  }
0x13: {  	s0 =	sadd.s32 s0, s22;
	s24 =	sadd.s32 s2, s23;
	[dreg:$0x5] =	wrdreg s17  }
0x14: {  	s26 =	sadd.s32 s2, s25;
	s8 =	simm.s32 $0x3;
	[dreg:$0x7] =	wrdreg s6  }
0x15: {  	s20 =	simm.s32 $0x2;
	s22 =	simm.s32 $0x900;
	[dreg:$0x8] =	wrdreg s21  }
0x16: {  	s23 =	simm.s32 $0x1100;
	s25 =	simm.s32 $0x2100;
	[dreg:$0x9] =	wrdreg s0  }
0x17: {  	v2 =	vlaneseq.u32;
	s15 =	simm.s32 $0x80;
	s16 =	simm.s32 $0x8900;
	[dreg:$0xa] =	wrdreg s24  }
0x18: {  	vm0 =	vmmov $0xffff;
	v1 =	vshrl.u32 v2, $0x3;
	s6 =	sadd.s32 $0x300, s1;
	[dreg:$0xb] =	wrdreg s26;
	s26 =	simm.s32 $0x100  }
0x19: {  	v0 =	vand.u32 $0x7, v2;
	v2 =	vor.u32 $0x8, v2;
	v1 =	vmul.u32 $0x8, v1;
	s24 =	simm.s32 $0x1900;
	s0 =	simm.s32 $0x8100;
	s17 =	simm.s32 $0x9100  }
.LBB2_1:
0x1a: {  	s21 =	rddreg [dreg:$0x4]  }
0x1b: {  	[tilespmem:s3], [sflag:$0x3] =	stream.linear.gather [hbm4b:s21+s3], $0x20, $0x38;
	[tilespmem:$0x10100] =	vst v63  }
0x1c: {  	_ =	swait.ge [sflag:s8], $0x20  }
0x1d: {  	[sflag:s8] =	ssyncset.done $0x0  }
0x1e: {  	[sflag:s8] =	ssyncadd.s32 $0xFFFFFFE0  }
0x1f: {  	v3 =	vld [tilespmem:$0x0];
	_ =	sdelay $0x4  }
0x20: {  	v4 =	vshll.u32 v3, $0x3  }
0x21: {  	v3 =	vand.u32 $0x7, v3;
	v4 =	vand.u32 $0xFFFFFFC0, v4  }
0x22: {  	v3 =	vor.u32 v3, v4  }
0x23: {  	v4 =	vperm.xlane v3, v0;
	_ =	sdelay $0x1  }
0x24: {  	v4 =	vadd.s32 v1, v4;
	_ =	sdelay $0x4  }
0x25: {  	[tilespmem:s26], [sflag:$0x1] =	stream.indirect_vreg.gather [hbm4b:s1+s3], $0x80, v4, vm0, $0xb8;
	[tilespmem:$0x10100] =	vst v63  }
0x26: {  	v3 =	vperm.xlane v3, v2  }
0x27: {  	[tilespmem:s22], [sflag:$0x1] =	stream.indirect_vreg.gather [hbm4b:s4+s3], $0x80, v4, vm0, $0xb8;
	[tilespmem:$0x10100] =	vst v63  }
0x28: {  	v3 =	vadd.s32 v1, v3  }
0x29: {  	[tilespmem:s23], [sflag:$0x1] =	stream.indirect_vreg.gather [hbm4b:s5+s3], $0x80, v4, vm0, $0xb8;
	[tilespmem:$0x10100] =	vst v63  }
0x2a: {  	_ = 	snop  }
0x2b: {  	[tilespmem:s24], [sflag:$0x1] =	stream.indirect_vreg.gather [hbm4b:s6+s3], $0x80, v4, vm0, $0xb8;
	[tilespmem:$0x10100] =	vst v63  }
0x2c: {  	_ = 	snop  }
0x2d: {  	[tilespmem:s25], [sflag:$0x1] =	stream.indirect_vreg.gather [hbm4b:s1+s3], $0x80, v3, vm0, $0xb8;
	[tilespmem:$0x10100] =	vst v63  }
0x2e: {  	_ = 	snop  }
0x2f: {  	[tilespmem:s28], [sflag:$0x1] =	stream.indirect_vreg.gather [hbm4b:s4+s3], $0x80, v3, vm0, $0xb8;
	[tilespmem:$0x10100] =	vst v63  }
0x30: {  	_ = 	snop  }
0x31: {  	[tilespmem:s29], [sflag:$0x1] =	stream.indirect_vreg.gather [hbm4b:s5+s3], $0x80, v3, vm0, $0xb8;
	[tilespmem:$0x10100] =	vst v63  }
0x32: {  	_ = 	snop  }
0x33: {  	[tilespmem:s30], [sflag:$0x1] =	stream.indirect_vreg.gather [hbm4b:s6+s3], $0x80, v3, vm0, $0xb8;
	[tilespmem:$0x10100] =	vst v63  }
0x34: {  	v3 =	vld [tilespmem:$0x10];
	_ =	sdelay $0x4  }
0x35: {  	v57 =	vshll.u32 v3, $0x3  }
0x36: {  	v3 =	vand.u32 $0x7, v3;
	v4 =	vand.u32 $0xFFFFFFC0, v57  }
0x37: {  	v3 =	vor.u32 v3, v4  }
0x38: {  	v4 =	vperm.xlane v3, v0;
	_ =	sdelay $0x1  }
0x39: {  	v4 =	vadd.s32 v1, v4;
	_ =	sdelay $0x4  }
0x3a: {  	[tilespmem:s31], [sflag:$0x1] =	stream.indirect_vreg.gather [hbm4b:s1+s3], $0x80, v4, vm0, $0xb8;
	[tilespmem:$0x10100] =	vst v63  }
0x3b: {  	v3 =	vperm.xlane v3, v2  }
0x3c: {  	[tilespmem:s9], [sflag:$0x1] =	stream.indirect_vreg.gather [hbm4b:s4+s3], $0x80, v4, vm0, $0xb8;
	[tilespmem:$0x10100] =	vst v63  }
0x3d: {  	s2 =	simm.s32 $0x5100;
	v3 =	vadd.s32 v1, v3  }
0x3e: {  	[tilespmem:s2], [sflag:$0x1] =	stream.indirect_vreg.gather [hbm4b:s5+s3], $0x80, v4, vm0, $0xb8;
	[tilespmem:$0x10100] =	vst v63  }
0x3f: {  	_ = 	snop  }
0x40: {  	[tilespmem:s10], [sflag:$0x1] =	stream.indirect_vreg.gather [hbm4b:s6+s3], $0x80, v4, vm0, $0xb8;
	[tilespmem:$0x10100] =	vst v63  }
0x41: {  	_ = 	snop  }
0x42: {  	[tilespmem:s11], [sflag:$0x1] =	stream.indirect_vreg.gather [hbm4b:s1+s3], $0x80, v3, vm0, $0xb8;
	[tilespmem:$0x10100] =	vst v63  }
0x43: {  	_ = 	snop  }
0x44: {  	[tilespmem:s12], [sflag:$0x1] =	stream.indirect_vreg.gather [hbm4b:s4+s3], $0x80, v3, vm0, $0xb8;
	[tilespmem:$0x10100] =	vst v63  }
0x45: {  	_ = 	snop  }
0x46: {  	[tilespmem:s13], [sflag:$0x1] =	stream.indirect_vreg.gather [hbm4b:s5+s3], $0x80, v3, vm0, $0xb8;
	[tilespmem:$0x10100] =	vst v63  }
0x47: {  	_ = 	snop  }
0x48: {  	[tilespmem:s14], [sflag:$0x1] =	stream.indirect_vreg.gather [hbm4b:s6+s3], $0x80, v3, vm0, $0xb8;
	[tilespmem:$0x10100] =	vst v63  }
0x49: {  	s21 =	rddreg [dreg:$0x5]  }
0x4a: {  	[tilespmem:s15], [sflag:$0x3] =	stream.linear.gather [hbm4b:s21+s3], $0x20, $0x38;
	[tilespmem:$0x10100] =	vst v63  }
0x4b: {  	_ =	swait.ge [sflag:s8], $0x20  }
0x4c: {  	[sflag:s8] =	ssyncset.done $0x0  }
0x4d: {  	[sflag:s8] =	ssyncadd.s32 $0xFFFFFFE0  }
0x4e: {  	v3 =	vld [tilespmem:$0x80];
	_ =	sdelay $0x4  }
0x4f: {  	v58 =	vshll.u32 v3, $0x3  }
0x50: {  	v3 =	vand.u32 $0x7, v3;
	v4 =	vand.u32 $0xFFFFFFC0, v58  }
0x51: {  	v3 =	vor.u32 v3, v4  }
0x52: {  	v4 =	vperm.xlane v3, v0;
	_ =	sdelay $0x1  }
0x53: {  	v4 =	vadd.s32 v1, v4;
	_ =	sdelay $0x4  }
0x54: {  	[tilespmem:s0], [sflag:$0x2] =	stream.indirect_vreg.gather [hbm4b:s1+s3], $0x80, v4, vm0, $0xb8;
	[tilespmem:$0x10100] =	vst v63  }
0x55: {  	v3 =	vperm.xlane v3, v2  }
0x56: {  	[tilespmem:s16], [sflag:$0x2] =	stream.indirect_vreg.gather [hbm4b:s4+s3], $0x80, v4, vm0, $0xb8;
	[tilespmem:$0x10100] =	vst v63  }
0x57: {  	v3 =	vadd.s32 v1, v3  }
0x58: {  	[tilespmem:s17], [sflag:$0x2] =	stream.indirect_vreg.gather [hbm4b:s5+s3], $0x80, v4, vm0, $0xb8;
	[tilespmem:$0x10100] =	vst v63  }
0x59: {  	_ = 	snop  }
0x5a: {  	[tilespmem:s18], [sflag:$0x2] =	stream.indirect_vreg.gather [hbm4b:s6+s3], $0x80, v4, vm0, $0xb8;
	[tilespmem:$0x10100] =	vst v63  }
0x5b: {  	s21 =	simm.s32 $0xA100  }
0x5c: {  	[tilespmem:s21], [sflag:$0x2] =	stream.indirect_vreg.gather [hbm4b:s1+s3], $0x80, v3, vm0, $0xb8;
	[tilespmem:$0x10100] =	vst v63  }
0x5d: {  	s21 =	simm.s32 $0xA900  }
0x5e: {  	[tilespmem:s21], [sflag:$0x2] =	stream.indirect_vreg.gather [hbm4b:s4+s3], $0x80, v3, vm0, $0xb8;
	[tilespmem:$0x10100] =	vst v63  }
0x5f: {  	s21 =	simm.s32 $0xB100  }
0x60: {  	[tilespmem:s21], [sflag:$0x2] =	stream.indirect_vreg.gather [hbm4b:s5+s3], $0x80, v3, vm0, $0xb8;
	[tilespmem:$0x10100] =	vst v63  }
0x61: {  	s21 =	simm.s32 $0xB900  }
0x62: {  	[tilespmem:s21], [sflag:$0x2] =	stream.indirect_vreg.gather [hbm4b:s6+s3], $0x80, v3, vm0, $0xb8;
	[tilespmem:$0x10100] =	vst v63  }
0x63: {  	v3 =	vld [tilespmem:$0x90];
	_ =	sdelay $0x4  }
0x64: {  	v59 =	vshll.u32 v3, $0x3  }
0x65: {  	v3 =	vand.u32 $0x7, v3;
	v4 =	vand.u32 $0xFFFFFFC0, v59  }
0x66: {  	v3 =	vor.u32 v3, v4  }
0x67: {  	v4 =	vperm.xlane v3, v0;
	_ =	sdelay $0x1  }
0x68: {  	v4 =	vadd.s32 v1, v4;
	_ =	sdelay $0x3  }
0x69: {  	s21 =	simm.s32 $0xC100  }
0x6a: {  	[tilespmem:s21], [sflag:$0x2] =	stream.indirect_vreg.gather [hbm4b:s1+s3], $0x80, v4, vm0, $0xb8;
	[tilespmem:$0x10100] =	vst v63  }
0x6b: {  	v3 =	vperm.xlane v3, v2;
	s21 =	simm.s32 $0xC900  }
0x6c: {  	[tilespmem:s21], [sflag:$0x2] =	stream.indirect_vreg.gather [hbm4b:s4+s3], $0x80, v4, vm0, $0xb8;
	[tilespmem:$0x10100] =	vst v63  }
0x6d: {  	v3 =	vadd.s32 v1, v3;
	s21 =	simm.s32 $0xD100  }
0x6e: {  	[tilespmem:s21], [sflag:$0x2] =	stream.indirect_vreg.gather [hbm4b:s5+s3], $0x80, v4, vm0, $0xb8;
	[tilespmem:$0x10100] =	vst v63  }
0x6f: {  	s21 =	simm.s32 $0xD900  }
0x70: {  	[tilespmem:s21], [sflag:$0x2] =	stream.indirect_vreg.gather [hbm4b:s6+s3], $0x80, v4, vm0, $0xb8;
	[tilespmem:$0x10100] =	vst v63  }
0x71: {  	s21 =	simm.s32 $0xE100  }
0x72: {  	[tilespmem:s21], [sflag:$0x2] =	stream.indirect_vreg.gather [hbm4b:s1+s3], $0x80, v3, vm0, $0xb8;
	[tilespmem:$0x10100] =	vst v63  }
0x73: {  	s21 =	simm.s32 $0xE900  }
0x74: {  	[tilespmem:s21], [sflag:$0x2] =	stream.indirect_vreg.gather [hbm4b:s4+s3], $0x80, v3, vm0, $0xb8;
	[tilespmem:$0x10100] =	vst v63  }
0x75: {  	s21 =	simm.s32 $0xF100  }
0x76: {  	[tilespmem:s21], [sflag:$0x2] =	stream.indirect_vreg.gather [hbm4b:s5+s3], $0x80, v3, vm0, $0xb8;
	[tilespmem:$0x10100] =	vst v63  }
0x77: {  	s21 =	simm.s32 $0xF900  }
0x78: {  	[tilespmem:s21], [sflag:$0x2] =	stream.indirect_vreg.gather [hbm4b:s6+s3], $0x80, v3, vm0, $0xb8;
	[tilespmem:$0x10100] =	vst v63  }
0x79: {  	_ =	swait.ge [sflag:s19], $0x8000  }
0x7a: {  	[sflag:s19] =	ssyncset.done $0x0  }
0x7b: {  	s21 =	rddreg [dreg:$0x6];
	[sflag:s19] =	ssyncadd.s32 $0xFFFF8000  }
0x7c: {  	[hbm4b:s21+s3] =	stream.linear.scatter [tilespmem:s26], [sflag:$0x3], $0x8000, $0x38;
	[tilespmem:$0x10100] =	vst v63  }
0x7d: {  	_ =	swait.ge [sflag:s8], $0x8000  }
0x7e: {  	[sflag:s8] =	ssyncset.done $0x0  }
0x7f: {  	s21 =	rddreg [dreg:$0x7];
	[sflag:s8] =	ssyncadd.s32 $0xFFFF8000  }
0x80: {  	[tilespmem:s3], [sflag:$0x3] =	stream.linear.gather [hbm4b:s21+s3], $0x20, $0x38;
	[tilespmem:$0x10100] =	vst v63  }
0x81: {  	_ =	swait.ge [sflag:s8], $0x20  }
0x82: {  	[sflag:s8] =	ssyncset.done $0x0  }
0x83: {  	[sflag:s8] =	ssyncadd.s32 $0xFFFFFFE0  }
0x84: {  	v3 =	vld [tilespmem:$0x0];
	_ =	sdelay $0x4  }
0x85: {  	v60 =	vshll.u32 v3, $0x3  }
0x86: {  	v3 =	vand.u32 $0x7, v3;
	v4 =	vand.u32 $0xFFFFFFC0, v60  }
0x87: {  	v3 =	vor.u32 v3, v4  }
0x88: {  	v4 =	vperm.xlane v3, v0;
	_ =	sdelay $0x1  }
0x89: {  	v4 =	vadd.s32 v1, v4;
	_ =	sdelay $0x4  }
0x8a: {  	[tilespmem:s26], [sflag:$0x1] =	stream.indirect_vreg.gather [hbm4b:s1+s3], $0x80, v4, vm0, $0xb8;
	[tilespmem:$0x10100] =	vst v63  }
0x8b: {  	v3 =	vperm.xlane v3, v2  }
0x8c: {  	[tilespmem:s22], [sflag:$0x1] =	stream.indirect_vreg.gather [hbm4b:s4+s3], $0x80, v4, vm0, $0xb8;
	[tilespmem:$0x10100] =	vst v63  }
0x8d: {  	v3 =	vadd.s32 v1, v3  }
0x8e: {  	[tilespmem:s23], [sflag:$0x1] =	stream.indirect_vreg.gather [hbm4b:s5+s3], $0x80, v4, vm0, $0xb8;
	[tilespmem:$0x10100] =	vst v63  }
0x8f: {  	_ = 	snop  }
0x90: {  	[tilespmem:s24], [sflag:$0x1] =	stream.indirect_vreg.gather [hbm4b:s6+s3], $0x80, v4, vm0, $0xb8;
	[tilespmem:$0x10100] =	vst v63  }
0x91: {  	_ = 	snop  }
0x92: {  	[tilespmem:s25], [sflag:$0x1] =	stream.indirect_vreg.gather [hbm4b:s1+s3], $0x80, v3, vm0, $0xb8;
	[tilespmem:$0x10100] =	vst v63  }
0x93: {  	_ = 	snop  }
0x94: {  	[tilespmem:s28], [sflag:$0x1] =	stream.indirect_vreg.gather [hbm4b:s4+s3], $0x80, v3, vm0, $0xb8;
	[tilespmem:$0x10100] =	vst v63  }
0x95: {  	_ = 	snop  }
0x96: {  	[tilespmem:s29], [sflag:$0x1] =	stream.indirect_vreg.gather [hbm4b:s5+s3], $0x80, v3, vm0, $0xb8;
	[tilespmem:$0x10100] =	vst v63  }
0x97: {  	_ = 	snop  }
0x98: {  	[tilespmem:s30], [sflag:$0x1] =	stream.indirect_vreg.gather [hbm4b:s6+s3], $0x80, v3, vm0, $0xb8;
	[tilespmem:$0x10100] =	vst v63  }
0x99: {  	v3 =	vld [tilespmem:$0x10];
	_ =	sdelay $0x4  }
0x9a: {  	v61 =	vshll.u32 v3, $0x3  }
0x9b: {  	v3 =	vand.u32 $0x7, v3;
	v4 =	vand.u32 $0xFFFFFFC0, v61  }
0x9c: {  	v3 =	vor.u32 v3, v4  }
0x9d: {  	v4 =	vperm.xlane v3, v0;
	_ =	sdelay $0x1  }
0x9e: {  	v4 =	vadd.s32 v1, v4;
	_ =	sdelay $0x4  }
0x9f: {  	[tilespmem:s31], [sflag:$0x1] =	stream.indirect_vreg.gather [hbm4b:s1+s3], $0x80, v4, vm0, $0xb8;
	[tilespmem:$0x10100] =	vst v63  }
0xa0: {  	v3 =	vperm.xlane v3, v2  }
0xa1: {  	[tilespmem:s9], [sflag:$0x1] =	stream.indirect_vreg.gather [hbm4b:s4+s3], $0x80, v4, vm0, $0xb8;
	[tilespmem:$0x10100] =	vst v63  }
0xa2: {  	v3 =	vadd.s32 v1, v3  }
0xa3: {  	[tilespmem:s2], [sflag:$0x1] =	stream.indirect_vreg.gather [hbm4b:s5+s3], $0x80, v4, vm0, $0xb8;
	[tilespmem:$0x10100] =	vst v63  }
0xa4: {  	_ = 	snop  }
0xa5: {  	[tilespmem:s10], [sflag:$0x1] =	stream.indirect_vreg.gather [hbm4b:s6+s3], $0x80, v4, vm0, $0xb8;
	[tilespmem:$0x10100] =	vst v63  }
0xa6: {  	_ = 	snop  }
0xa7: {  	[tilespmem:s11], [sflag:$0x1] =	stream.indirect_vreg.gather [hbm4b:s1+s3], $0x80, v3, vm0, $0xb8;
	[tilespmem:$0x10100] =	vst v63  }
0xa8: {  	_ = 	snop  }
0xa9: {  	[tilespmem:s12], [sflag:$0x1] =	stream.indirect_vreg.gather [hbm4b:s4+s3], $0x80, v3, vm0, $0xb8;
	[tilespmem:$0x10100] =	vst v63  }
0xaa: {  	_ = 	snop  }
0xab: {  	[tilespmem:s13], [sflag:$0x1] =	stream.indirect_vreg.gather [hbm4b:s5+s3], $0x80, v3, vm0, $0xb8;
	[tilespmem:$0x10100] =	vst v63  }
0xac: {  	_ = 	snop  }
0xad: {  	[tilespmem:s14], [sflag:$0x1] =	stream.indirect_vreg.gather [hbm4b:s6+s3], $0x80, v3, vm0, $0xb8;
	[tilespmem:$0x10100] =	vst v63  }
0xae: {  	_ =	swait.ge [sflag:s20], $0x8000  }
0xaf: {  	[sflag:s20] =	ssyncset.done $0x0  }
0xb0: {  	s2 =	rddreg [dreg:$0x8];
	[sflag:s20] =	ssyncadd.s32 $0xFFFF8000  }
0xb1: {  	[hbm4b:s2+s3] =	stream.linear.scatter [tilespmem:s0], [sflag:$0x3], $0x8000, $0x38;
	[tilespmem:$0x10100] =	vst v63  }
0xb2: {  	_ =	swait.ge [sflag:s8], $0x8000  }
0xb3: {  	[sflag:s8] =	ssyncset.done $0x0  }
0xb4: {  	s2 =	rddreg [dreg:$0x9];
	[sflag:s8] =	ssyncadd.s32 $0xFFFF8000  }
0xb5: {  	[tilespmem:s15], [sflag:$0x3] =	stream.linear.gather [hbm4b:s2+s3], $0x20, $0x38;
	[tilespmem:$0x10100] =	vst v63  }
0xb6: {  	_ =	swait.ge [sflag:s8], $0x20  }
0xb7: {  	[sflag:s8] =	ssyncset.done $0x0  }
0xb8: {  	[sflag:s8] =	ssyncadd.s32 $0xFFFFFFE0  }
0xb9: {  	v3 =	vld [tilespmem:$0x80];
	_ =	sdelay $0x4  }
0xba: {  	v62 =	vshll.u32 v3, $0x3  }
0xbb: {  	v3 =	vand.u32 $0x7, v3;
	v4 =	vand.u32 $0xFFFFFFC0, v62  }
0xbc: {  	v3 =	vor.u32 v3, v4  }
0xbd: {  	v4 =	vperm.xlane v3, v0;
	_ =	sdelay $0x1  }
0xbe: {  	v4 =	vadd.s32 v1, v4;
	_ =	sdelay $0x4  }
0xbf: {  	[tilespmem:s0], [sflag:$0x2] =	stream.indirect_vreg.gather [hbm4b:s1+s3], $0x80, v4, vm0, $0xb8;
	[tilespmem:$0x10100] =	vst v63  }
0xc0: {  	v3 =	vperm.xlane v3, v2  }
0xc1: {  	[tilespmem:s16], [sflag:$0x2] =	stream.indirect_vreg.gather [hbm4b:s4+s3], $0x80, v4, vm0, $0xb8;
	[tilespmem:$0x10100] =	vst v63  }
0xc2: {  	v3 =	vadd.s32 v1, v3  }
0xc3: {  	[tilespmem:s17], [sflag:$0x2] =	stream.indirect_vreg.gather [hbm4b:s5+s3], $0x80, v4, vm0, $0xb8;
	[tilespmem:$0x10100] =	vst v63  }
0xc4: {  	_ = 	snop  }
0xc5: {  	[tilespmem:s18], [sflag:$0x2] =	stream.indirect_vreg.gather [hbm4b:s6+s3], $0x80, v4, vm0, $0xb8;
	[tilespmem:$0x10100] =	vst v63  }
0xc6: {  	s21 =	simm.s32 $0xA100  }
0xc7: {  	[tilespmem:s21], [sflag:$0x2] =	stream.indirect_vreg.gather [hbm4b:s1+s3], $0x80, v3, vm0, $0xb8;
	[tilespmem:$0x10100] =	vst v63  }
0xc8: {  	s21 =	simm.s32 $0xA900  }
0xc9: {  	[tilespmem:s21], [sflag:$0x2] =	stream.indirect_vreg.gather [hbm4b:s4+s3], $0x80, v3, vm0, $0xb8;
	[tilespmem:$0x10100] =	vst v63  }
0xca: {  	s21 =	simm.s32 $0xB100  }
0xcb: {  	[tilespmem:s21], [sflag:$0x2] =	stream.indirect_vreg.gather [hbm4b:s5+s3], $0x80, v3, vm0, $0xb8;
	[tilespmem:$0x10100] =	vst v63  }
0xcc: {  	s21 =	simm.s32 $0xB900  }
0xcd: {  	[tilespmem:s21], [sflag:$0x2] =	stream.indirect_vreg.gather [hbm4b:s6+s3], $0x80, v3, vm0, $0xb8;
	[tilespmem:$0x10100] =	vst v63  }
0xce: {  	v3 =	vld [tilespmem:$0x90];
	_ =	sdelay $0x4  }
0xcf: {  	v63 =	vshll.u32 v3, $0x3  }
0xd0: {  	v3 =	vand.u32 $0x7, v3;
	v4 =	vand.u32 $0xFFFFFFC0, v63  }
0xd1: {  	v3 =	vor.u32 v3, v4  }
0xd2: {  	v4 =	vperm.xlane v3, v0;
	_ =	sdelay $0x1  }
0xd3: {  	v4 =	vadd.s32 v1, v4;
	_ =	sdelay $0x3  }
0xd4: {  	s21 =	simm.s32 $0xC100  }
0xd5: {  	[tilespmem:s21], [sflag:$0x2] =	stream.indirect_vreg.gather [hbm4b:s1+s3], $0x80, v4, vm0, $0xb8;
	[tilespmem:$0x10100] =	vst v63  }
0xd6: {  	v3 =	vperm.xlane v3, v2;
	s21 =	simm.s32 $0xC900  }
0xd7: {  	[tilespmem:s21], [sflag:$0x2] =	stream.indirect_vreg.gather [hbm4b:s4+s3], $0x80, v4, vm0, $0xb8;
	[tilespmem:$0x10100] =	vst v63  }
0xd8: {  	v3 =	vadd.s32 v1, v3;
	s21 =	simm.s32 $0xD100  }
0xd9: {  	[tilespmem:s21], [sflag:$0x2] =	stream.indirect_vreg.gather [hbm4b:s5+s3], $0x80, v4, vm0, $0xb8;
	[tilespmem:$0x10100] =	vst v63  }
0xda: {  	s21 =	simm.s32 $0xD900  }
0xdb: {  	[tilespmem:s21], [sflag:$0x2] =	stream.indirect_vreg.gather [hbm4b:s6+s3], $0x80, v4, vm0, $0xb8;
	[tilespmem:$0x10100] =	vst v63  }
0xdc: {  	s21 =	simm.s32 $0xE100  }
0xdd: {  	[tilespmem:s21], [sflag:$0x2] =	stream.indirect_vreg.gather [hbm4b:s1+s3], $0x80, v3, vm0, $0xb8;
	[tilespmem:$0x10100] =	vst v63  }
0xde: {  	s21 =	simm.s32 $0xE900  }
0xdf: {  	[tilespmem:s21], [sflag:$0x2] =	stream.indirect_vreg.gather [hbm4b:s4+s3], $0x80, v3, vm0, $0xb8;
	[tilespmem:$0x10100] =	vst v63  }
0xe0: {  	s21 =	simm.s32 $0xF100  }
0xe1: {  	[tilespmem:s21], [sflag:$0x2] =	stream.indirect_vreg.gather [hbm4b:s5+s3], $0x80, v3, vm0, $0xb8;
	[tilespmem:$0x10100] =	vst v63  }
0xe2: {  	s21 =	simm.s32 $0xF900  }
0xe3: {  	[tilespmem:s21], [sflag:$0x2] =	stream.indirect_vreg.gather [hbm4b:s6+s3], $0x80, v3, vm0, $0xb8;
	[tilespmem:$0x10100] =	vst v63  }
0xe4: {  	_ =	swait.ge [sflag:s19], $0x8000  }
0xe5: {  	[sflag:s19] =	ssyncset.done $0x0  }
0xe6: {  	s2 =	rddreg [dreg:$0xa];
	[sflag:s19] =	ssyncadd.s32 $0xFFFF8000  }
0xe7: {  	[hbm4b:s2+s3] =	stream.linear.scatter [tilespmem:s26], [sflag:$0x3], $0x8000, $0x38;
	[tilespmem:$0x10100] =	vst v63  }
0xe8: {  	_ =	swait.ge [sflag:s8], $0x8000  }
0xe9: {  	[sflag:s8] =	ssyncset.done $0x0  }
0xea: {  	[sflag:s8] =	ssyncadd.s32 $0xFFFF8000  }
0xeb: {  	_ =	swait.ge [sflag:s20], $0x8000  }
0xec: {  	p0 =	sne.s32 s7, $0x1;
	[sflag:s20] =	ssyncset.done $0x0  }
.Ltmp0:
0xed: {  	s2 =	rddreg [dreg:$0xb];
	[sflag:s20] =	ssyncadd.s32 $0xFFFF8000;
	(pc) =	sbr.rel @p0 .LBB2_1-.Ltmp0, $4  }
0xee: {  	[hbm4b:s2+s3] =	stream.linear.scatter [tilespmem:s0], [sflag:$0x3], $0x8000, $0x38;
	[tilespmem:$0x10100] =	vst v63  }
0xef: {  	_ =	swait.ge [sflag:s8], $0x8000  }
0xf0: {  	[sflag:s8] =	ssyncset.done $0x0  }
0xf1: {  	s7 =	sadd.s32 $0xFFFFFFFF, s7;
	[sflag:s8] =	ssyncadd.s32 $0xFFFF8000  }
0xf2: {  	_ =	sfence.sel $0x180000  }
0xf3: {  	[bflag:$0x0] =	sbarrier.arrive $0xFFFF  }
0xf4: {  	_ =	strace $0x90000047  }
0xf5: {  	s0 =	stileid.u32;
	[bflag:$0x2] =	sbarrier.arrive $0xFFFF  }
0xf6: {  	p0 =	sne.s32 s0, $0x0;
	s0 =	rddreg [dreg:$0x3]  }
0xf7: {  	s0 =	sadd.s32 @!p0 $0x100000, s0  }
0xf8: {  	[sflag:s0] =	ssyncadd.tile.s32 @!p0 $0x1;
	_ =	shalt  }
.Lfunc_end2:
_tile_overlayer_lowered:
.L_overlay_start_2:
0xf9: {  	(tag) =	ssettag $0x2  }
0xfa: {  	s0 =	rddreg [dreg:$0x0];
	s2 =	stileid.u32  }
0xfb: {  	s1 =	rddreg [dreg:$0x1];
	p0 =	sne.s32 s2, $0x0  }
0xfc: {  	s3 =	rddreg [dreg:$0x2];
	[bflag:$0x3] =	sbarrier.arrive $0xFFFF;
	s2 =	simm.s32 @!p0 $0x1C03  }
0xfd: {  	[timem:s3], [sflag:s2] =	dma.local @!p0 [hbm:s0], s1  }
0xfe: {  	s0 =	simm.s32 @!p0 $0x3  }
0xff: {  	_ =	swait.ge @!p0 [sflag:s0], s1  }
0x100: {  	s1 =	ssub.s32 @!p0 $0x0, s1;
	[sflag:s0] =	ssyncset.done @!p0 $0x0  }
0x101: {  	[sflag:s0] =	ssyncadd.s32 @!p0 s1  }
0x102: {  	[bflag:$0x3] =	sbarrier.arrive $0xFFFF  }
0x103: {  	_ =	shalt  }

</sc_bundles>
